<compile_context>
chip_gen: v7x
topology: tpu7x:2x2x1
jax: 0.10.2.dev20260603
libtpu: 0.0.44.dev20260713+nightly
codegen_flags: <defaults>
</compile_context>

<pallas_src>
import functools

import jax
import jax.numpy as jnp
from jax import lax
from jax.experimental import pallas as pl
from jax.experimental.pallas import tpu as pltpu
from jax.experimental.pallas import tpu_sc as plsc

B = 262144
K = 64

BSC = 65536
BT = B - BSC

CB = 16384

NW = 32
CBS = 256
TCB = CBS // 128


def _tc_body(gu_ref, gi_ref, bu_ref, bi_ref, mu_ref, out_ref):
    z = gu_ref[...] * gi_ref[...]
    out_ref[...] = jnp.sum(z, axis=0) + bu_ref[...] + bi_ref[...] + mu_ref[0, 0]


def _tc_call(gut, git, buf, bif, Mu, bt):
    return pl.pallas_call(
        _tc_body,
        grid=(bt // CB,),
        in_specs=[
            pl.BlockSpec((K, CB), lambda i: (0, i)),
            pl.BlockSpec((K, CB), lambda i: (0, i)),
            pl.BlockSpec((CB,), lambda i: (i,)),
            pl.BlockSpec((CB,), lambda i: (i,)),
            pl.BlockSpec((1, 1), lambda i: (0, 0)),
        ],
        out_specs=pl.BlockSpec((CB,), lambda i: (i,)),
        out_shape=jax.ShapeDtypeStruct((bt,), jnp.float32),
    )(gut, git, buf, bif, Mu)


def _make_sc(bsc, col0):
    cols_pw = bsc // NW
    nchunks = cols_pw // CBS
    mesh = plsc.VectorSubcoreMesh(core_axis_name="c", subcore_axis_name="s")

    @functools.partial(
        pl.kernel,
        out_type=jax.ShapeDtypeStruct((bsc,), jnp.float32),
        mesh=mesh,
        scratch_types=[
            pltpu.VMEM((8, TCB, 8, 128), jnp.float32),
            pltpu.VMEM((8, TCB, 8, 128), jnp.float32),
            pltpu.VMEM((cols_pw,), jnp.float32),
            pltpu.VMEM((cols_pw,), jnp.float32),
            pltpu.VMEM((cols_pw,), jnp.float32),
            pltpu.VMEM((16,), jnp.float32),
        ],
    )
    def sck(gu4, gi4, buf, bif, mu16, out_hbm, gu_v, gi_v, bu_v, bi_v, out_v, mu_v):
        wid = lax.axis_index("s") * 2 + lax.axis_index("c")
        base = col0 + wid * cols_pw
        pltpu.sync_copy(mu16, mu_v)
        pltpu.sync_copy(buf.at[pl.ds(base, cols_pw)], bu_v)
        pltpu.sync_copy(bif.at[pl.ds(base, cols_pw)], bi_v)

        def chunk(j, _):
            col = base + j * CBS
            pltpu.sync_copy(gu4.at[:, pl.ds(col // 128, TCB)], gu_v)
            pltpu.sync_copy(gi4.at[:, pl.ds(col // 128, TCB)], gi_v)

            def grp(g, _):
                lo = (g % 8) * 16
                tc = g // 8
                acc = mu_v[...]
                for kk in range(K):
                    tr, s = kk // 8, kk % 8
                    acc = acc + gu_v[tr, tc, s, pl.ds(lo, 16)] * gi_v[tr, tc, s, pl.ds(lo, 16)]
                o = j * CBS + g * 16
                out_v[pl.ds(o, 16)] = acc + bu_v[pl.ds(o, 16)] + bi_v[pl.ds(o, 16)]
                return 0

            lax.fori_loop(0, CBS // 16, grp, 0)
            return 0

        lax.fori_loop(0, nchunks, chunk, 0)
        pltpu.sync_copy(out_v, out_hbm.at[pl.ds(base - col0, cols_pw)])

    return sck


def kernel(gu, gi, bu, bi, Mu):
    gut = gu.T
    git = gi.T
    gu4 = gut.reshape(8, 8, B // 128, 128).transpose(0, 2, 1, 3)
    gi4 = git.reshape(8, 8, B // 128, 128).transpose(0, 2, 1, 3)
    buf = bu.reshape(B)
    bif = bi.reshape(B)
    mu16 = jnp.broadcast_to(Mu.reshape(1), (16,))

    parts = []
    if BSC > 0:
        sc_out = _make_sc(BSC, BT)(gu4, gi4, buf, bif, mu16)
    if BT > 0:
        parts.append(_tc_call(gut, git, buf, bif, Mu, BT))
    if BSC > 0:
        parts.append(sc_out)
    return parts[0] if len(parts) == 1 else jnp.concatenate(parts)

# --- scband reference (transcript-rebuilt; emitter-appended) ---
"""Pipeline reference for scband-ro-germodel-34668976013908 (READ-ONLY COPY).

The authoritative reference and input builder live on the scoring server;
editing this copy changes nothing except your own understanding.
"""

import jax, jax.numpy as jnp
import numpy as np

B = 262144
K = 64

def setup_inputs(seed: int = 0) -> dict:
    key = jax.random.key(seed)
    k1, k2, k3, k4, k5 = jax.random.split(key, 5)
    return {
        "gu": jax.random.normal(k1, (B, K), dtype=jnp.float32) * 0.1,
        "gi": jax.random.normal(k2, (B, K), dtype=jnp.float32) * 0.1,
        "bu": jax.random.normal(k3, (B, 1), dtype=jnp.float32) * 0.1,
        "bi": jax.random.normal(k4, (B, 1), dtype=jnp.float32) * 0.1,
        "Mu": jax.random.normal(k5, (1, 1), dtype=jnp.float32) * 0.1,
    }

def reference(gu, gi, bu, bi, Mu):
    # Faithful translation of RoGERModel.forward:
    # xui = sum(gamma_u * gamma_i, 1) + beta_u + beta_i + mu
    gamma_u = jnp.squeeze(gu)
    gamma_i = jnp.squeeze(gi)
    beta_u = jnp.squeeze(bu)
    beta_i = jnp.squeeze(bi)
    mu = jnp.squeeze(Mu)
    xui = jnp.sum(gamma_u * gamma_i, axis=1) + beta_u + beta_i + mu
    return xui

if __name__ == "__main__":
    import jax
    _d = setup_inputs()
    print(jax.jit(kernel)(*tuple(_d.values())))

</pallas_src>

<mosaic_0001>
#map = affine_map<(d0, d1) -> (0, 0, 0, 0)>
#map1 = affine_map<(d0, d1) -> (0)>
module attributes {stable_mosaic.version = 14 : i64} {
  func.func @sck(%arg0: i32, %arg1: i32, %arg2: memref<8x2048x8x128xf32, #tpu.memory_space<hbm>>, %arg3: memref<8x2048x8x128xf32, #tpu.memory_space<hbm>>, %arg4: memref<262144xf32, #tpu.memory_space<hbm>>, %arg5: memref<262144xf32, #tpu.memory_space<hbm>>, %arg6: memref<16xf32, #tpu.memory_space<hbm>>, %arg7: memref<65536xf32, #tpu.memory_space<hbm>>, %arg8: memref<8x2x8x128xf32, #tpu.memory_space<vmem>>, %arg9: memref<8x2x8x128xf32, #tpu.memory_space<vmem>>, %arg10: memref<2048xf32, #tpu.memory_space<vmem>>, %arg11: memref<2048xf32, #tpu.memory_space<vmem>>, %arg12: memref<2048xf32, #tpu.memory_space<vmem>>, %arg13: memref<16xf32, #tpu.memory_space<vmem>>) attributes {dimension_semantics = [#tpu.dimension_semantics<core_parallel>, #tpu.dimension_semantics<subcore_parallel>], iteration_bounds = array<i64: 2, 16>, scalar_prefetch = 0 : i64, scratch_operands = 6 : i64, tpu.core_type = #tpu.core_type<sc_vector_subcore>, window_params = [{transform_indices = #map}, {transform_indices = #map}, {transform_indices = #map1}, {transform_indices = #map1}, {transform_indices = #map1}, {transform_indices = #map1}]} {
    %mul3A = arith.constant 2 : i32
    %mul3A_0 = arith.muli %arg1, %mul3A : i32
    %add3A = arith.addi %mul3A_0, %arg0 : i32
    %mul3A_1 = arith.constant 2048 : i32
    %mul3A_2 = arith.muli %add3A, %mul3A_1 : i32
    %add3A_3 = arith.constant 196608 : i32
    %add3A_4 = arith.addi %add3A_3, %mul3A_2 : i32
    "tpu.region"() ({
      %run_scoped3A = tpu.sem_alloc : memref<!tpu.dma_semaphore, #tpu.memory_space<semaphore_mem>>
      tpu.enqueue_dma source(%arg6 : memref<16xf32, #tpu.memory_space<hbm>>) target(%arg13 : memref<16xf32, #tpu.memory_space<vmem>>) target_semaphore(%run_scoped3A : memref<!tpu.dma_semaphore, #tpu.memory_space<semaphore_mem>>)
      tpu.wait_dma2 semaphore(%run_scoped3A : memref<!tpu.dma_semaphore, #tpu.memory_space<semaphore_mem>>) src(%arg6 : memref<16xf32, #tpu.memory_space<hbm>>) dst(%arg13 : memref<16xf32, #tpu.memory_space<vmem>>)
      tpu.yield
    }) : () -> ()
    "tpu.region"() ({
      %run_scoped3A = tpu.sem_alloc : memref<!tpu.dma_semaphore, #tpu.memory_space<semaphore_mem>>
      %dma_start3A = tpu.memref_slice %arg4[%add3A_4] : memref<262144xf32, #tpu.memory_space<hbm>> -> memref<2048xf32, #tpu.memory_space<hbm>>
      %dma_start3A_12 = tpu.memref_slice %arg4[%add3A_4] : memref<262144xf32, #tpu.memory_space<hbm>> -> memref<2048xf32, #tpu.memory_space<hbm>>
      tpu.enqueue_dma source(%dma_start3A_12 : memref<2048xf32, #tpu.memory_space<hbm>>) target(%arg10 : memref<2048xf32, #tpu.memory_space<vmem>>) target_semaphore(%run_scoped3A : memref<!tpu.dma_semaphore, #tpu.memory_space<semaphore_mem>>)
      %dma_wait3A = tpu.memref_slice %arg4[%add3A_4] : memref<262144xf32, #tpu.memory_space<hbm>> -> memref<2048xf32, #tpu.memory_space<hbm>>
      %dma_wait3A_13 = tpu.memref_slice %arg4[%add3A_4] : memref<262144xf32, #tpu.memory_space<hbm>> -> memref<2048xf32, #tpu.memory_space<hbm>>
      tpu.wait_dma2 semaphore(%run_scoped3A : memref<!tpu.dma_semaphore, #tpu.memory_space<semaphore_mem>>) src(%dma_wait3A_13 : memref<2048xf32, #tpu.memory_space<hbm>>) dst(%arg10 : memref<2048xf32, #tpu.memory_space<vmem>>)
      tpu.yield
    }) : () -> ()
    "tpu.region"() ({
      %run_scoped3A = tpu.sem_alloc : memref<!tpu.dma_semaphore, #tpu.memory_space<semaphore_mem>>
      %dma_start3A = tpu.memref_slice %arg5[%add3A_4] : memref<262144xf32, #tpu.memory_space<hbm>> -> memref<2048xf32, #tpu.memory_space<hbm>>
      %dma_start3A_12 = tpu.memref_slice %arg5[%add3A_4] : memref<262144xf32, #tpu.memory_space<hbm>> -> memref<2048xf32, #tpu.memory_space<hbm>>
      tpu.enqueue_dma source(%dma_start3A_12 : memref<2048xf32, #tpu.memory_space<hbm>>) target(%arg11 : memref<2048xf32, #tpu.memory_space<vmem>>) target_semaphore(%run_scoped3A : memref<!tpu.dma_semaphore, #tpu.memory_space<semaphore_mem>>)
      %dma_wait3A = tpu.memref_slice %arg5[%add3A_4] : memref<262144xf32, #tpu.memory_space<hbm>> -> memref<2048xf32, #tpu.memory_space<hbm>>
      %dma_wait3A_13 = tpu.memref_slice %arg5[%add3A_4] : memref<262144xf32, #tpu.memory_space<hbm>> -> memref<2048xf32, #tpu.memory_space<hbm>>
      tpu.wait_dma2 semaphore(%run_scoped3A : memref<!tpu.dma_semaphore, #tpu.memory_space<semaphore_mem>>) src(%dma_wait3A_13 : memref<2048xf32, #tpu.memory_space<hbm>>) dst(%arg11 : memref<2048xf32, #tpu.memory_space<vmem>>)
      tpu.yield
    }) : () -> ()
    %scan3A = arith.constant 0 : i32
    %scan3A_5 = arith.constant 0 : i32
    %scan3A_6 = arith.constant 8 : i32
    %scan3A_7 = arith.addi %scan3A_5, %scan3A_6 : i32
    %scan3A_8 = arith.constant 1 : i32
    %scan3A_9 = scf.for %scan3A_12 = %scan3A_5 to %scan3A_7 step %scan3A_8 iter_args(%scan3A_13 = %scan3A) -> (i32)  : i32 {
      %mul3A_14 = arith.constant 256 : i32
      %mul3A_15 = arith.muli %scan3A_12, %mul3A_14 : i32
      %add3A_16 = arith.addi %add3A_4, %mul3A_15 : i32
      %jit3A = arith.constant 128 : i32
      %div3A = arith.divsi %add3A_16, %jit3A : i32
      %sign3A = arith.constant 0 : i32
      %sign3A_17 = arith.cmpi sgt, %add3A_16, %sign3A : i32
      %sign3A_18 = arith.extui %sign3A_17 : i1 to i32
      %sign3A_19 = arith.constant 0 : i32
      %sign3A_20 = arith.cmpi slt, %add3A_16, %sign3A_19 : i32
      %sign3A_21 = arith.extui %sign3A_20 : i1 to i32
      %sign3A_22 = arith.subi %sign3A_18, %sign3A_21 : i32
      %sign3A_23 = arith.constant 0 : i32
      %sign3A_24 = arith.cmpi sgt, %jit3A, %sign3A_23 : i32
      %sign3A_25 = arith.extui %sign3A_24 : i1 to i32
      %sign3A_26 = arith.constant 0 : i32
      %sign3A_27 = arith.cmpi slt, %jit3A, %sign3A_26 : i32
      %sign3A_28 = arith.extui %sign3A_27 : i1 to i32
      %sign3A_29 = arith.subi %sign3A_25, %sign3A_28 : i32
      %ne3A = arith.cmpi ne, %sign3A_22, %sign3A_29 : i32
      %rem3A = arith.remsi %add3A_16, %jit3A : i32
      %ne3A_30 = arith.constant 0 : i32
      %ne3A_31 = arith.cmpi ne, %rem3A, %ne3A_30 : i32
      %and3A = arith.andi %ne3A, %ne3A_31 : i1
      %sub3A_32 = arith.constant 1 : i32
      %sub3A_33 = arith.subi %div3A, %sub3A_32 : i32
      %select_n3A = arith.select %and3A, %sub3A_33, %div3A : i32
      "tpu.region"() ({
        %run_scoped3A = tpu.sem_alloc : memref<!tpu.dma_semaphore, #tpu.memory_space<semaphore_mem>>
        %dma_start3A = arith.constant 0 : i32
        %dma_start3A_66 = arith.constant 0 : i32
        %dma_start3A_67 = arith.constant 0 : i32
        %dma_start3A_68 = tpu.memref_slice %arg2[%dma_start3A, %select_n3A, %dma_start3A_66, %dma_start3A_67] : memref<8x2048x8x128xf32, #tpu.memory_space<hbm>> -> memref<8x2x8x128xf32, #tpu.memory_space<hbm>>
        %dma_start3A_69 = arith.constant 0 : i32
        %dma_start3A_70 = arith.constant 0 : i32
        %dma_start3A_71 = arith.constant 0 : i32
        %dma_start3A_72 = tpu.memref_slice %arg2[%dma_start3A_69, %select_n3A, %dma_start3A_70, %dma_start3A_71] : memref<8x2048x8x128xf32, #tpu.memory_space<hbm>> -> memref<8x2x8x128xf32, #tpu.memory_space<hbm>>
        tpu.enqueue_dma source(%dma_start3A_72 : memref<8x2x8x128xf32, #tpu.memory_space<hbm>>) target(%arg8 : memref<8x2x8x128xf32, #tpu.memory_space<vmem>>) target_semaphore(%run_scoped3A : memref<!tpu.dma_semaphore, #tpu.memory_space<semaphore_mem>>)
        %dma_wait3A = arith.constant 0 : i32
        %dma_wait3A_73 = arith.constant 0 : i32
        %dma_wait3A_74 = arith.constant 0 : i32
        %dma_wait3A_75 = tpu.memref_slice %arg2[%dma_wait3A, %select_n3A, %dma_wait3A_73, %dma_wait3A_74] : memref<8x2048x8x128xf32, #tpu.memory_space<hbm>> -> memref<8x2x8x128xf32, #tpu.memory_space<hbm>>
        %dma_wait3A_76 = arith.constant 0 : i32
        %dma_wait3A_77 = arith.constant 0 : i32
        %dma_wait3A_78 = arith.constant 0 : i32
        %dma_wait3A_79 = tpu.memref_slice %arg2[%dma_wait3A_76, %select_n3A, %dma_wait3A_77, %dma_wait3A_78] : memref<8x2048x8x128xf32, #tpu.memory_space<hbm>> -> memref<8x2x8x128xf32, #tpu.memory_space<hbm>>
        tpu.wait_dma2 semaphore(%run_scoped3A : memref<!tpu.dma_semaphore, #tpu.memory_space<semaphore_mem>>) src(%dma_wait3A_79 : memref<8x2x8x128xf32, #tpu.memory_space<hbm>>) dst(%arg8 : memref<8x2x8x128xf32, #tpu.memory_space<vmem>>)
        tpu.yield
      }) : () -> ()
      %jit3A_34 = arith.constant 128 : i32
      %div3A_35 = arith.divsi %add3A_16, %jit3A_34 : i32
      %sign3A_36 = arith.constant 0 : i32
      %sign3A_37 = arith.cmpi sgt, %add3A_16, %sign3A_36 : i32
      %sign3A_38 = arith.extui %sign3A_37 : i1 to i32
      %sign3A_39 = arith.constant 0 : i32
      %sign3A_40 = arith.cmpi slt, %add3A_16, %sign3A_39 : i32
      %sign3A_41 = arith.extui %sign3A_40 : i1 to i32
      %sign3A_42 = arith.subi %sign3A_38, %sign3A_41 : i32
      %sign3A_43 = arith.constant 0 : i32
      %sign3A_44 = arith.cmpi sgt, %jit3A_34, %sign3A_43 : i32
      %sign3A_45 = arith.extui %sign3A_44 : i1 to i32
      %sign3A_46 = arith.constant 0 : i32
      %sign3A_47 = arith.cmpi slt, %jit3A_34, %sign3A_46 : i32
      %sign3A_48 = arith.extui %sign3A_47 : i1 to i32
      %sign3A_49 = arith.subi %sign3A_45, %sign3A_48 : i32
      %ne3A_50 = arith.cmpi ne, %sign3A_42, %sign3A_49 : i32
      %rem3A_51 = arith.remsi %add3A_16, %jit3A_34 : i32
      %ne3A_52 = arith.constant 0 : i32
      %ne3A_53 = arith.cmpi ne, %rem3A_51, %ne3A_52 : i32
      %and3A_54 = arith.andi %ne3A_50, %ne3A_53 : i1
      %sub3A_55 = arith.constant 1 : i32
      %sub3A_56 = arith.subi %div3A_35, %sub3A_55 : i32
      %select_n3A_57 = arith.select %and3A_54, %sub3A_56, %div3A_35 : i32
      "tpu.region"() ({
        %run_scoped3A = tpu.sem_alloc : memref<!tpu.dma_semaphore, #tpu.memory_space<semaphore_mem>>
        %dma_start3A = arith.constant 0 : i32
        %dma_start3A_66 = arith.constant 0 : i32
        %dma_start3A_67 = arith.constant 0 : i32
        %dma_start3A_68 = tpu.memref_slice %arg3[%dma_start3A, %select_n3A_57, %dma_start3A_66, %dma_start3A_67] : memref<8x2048x8x128xf32, #tpu.memory_space<hbm>> -> memref<8x2x8x128xf32, #tpu.memory_space<hbm>>
        %dma_start3A_69 = arith.constant 0 : i32
        %dma_start3A_70 = arith.constant 0 : i32
        %dma_start3A_71 = arith.constant 0 : i32
        %dma_start3A_72 = tpu.memref_slice %arg3[%dma_start3A_69, %select_n3A_57, %dma_start3A_70, %dma_start3A_71] : memref<8x2048x8x128xf32, #tpu.memory_space<hbm>> -> memref<8x2x8x128xf32, #tpu.memory_space<hbm>>
        tpu.enqueue_dma source(%dma_start3A_72 : memref<8x2x8x128xf32, #tpu.memory_space<hbm>>) target(%arg9 : memref<8x2x8x128xf32, #tpu.memory_space<vmem>>) target_semaphore(%run_scoped3A : memref<!tpu.dma_semaphore, #tpu.memory_space<semaphore_mem>>)
        %dma_wait3A = arith.constant 0 : i32
        %dma_wait3A_73 = arith.constant 0 : i32
        %dma_wait3A_74 = arith.constant 0 : i32
        %dma_wait3A_75 = tpu.memref_slice %arg3[%dma_wait3A, %select_n3A_57, %dma_wait3A_73, %dma_wait3A_74] : memref<8x2048x8x128xf32, #tpu.memory_space<hbm>> -> memref<8x2x8x128xf32, #tpu.memory_space<hbm>>
        %dma_wait3A_76 = arith.constant 0 : i32
        %dma_wait3A_77 = arith.constant 0 : i32
        %dma_wait3A_78 = arith.constant 0 : i32
        %dma_wait3A_79 = tpu.memref_slice %arg3[%dma_wait3A_76, %select_n3A_57, %dma_wait3A_77, %dma_wait3A_78] : memref<8x2048x8x128xf32, #tpu.memory_space<hbm>> -> memref<8x2x8x128xf32, #tpu.memory_space<hbm>>
        tpu.wait_dma2 semaphore(%run_scoped3A : memref<!tpu.dma_semaphore, #tpu.memory_space<semaphore_mem>>) src(%dma_wait3A_79 : memref<8x2x8x128xf32, #tpu.memory_space<hbm>>) dst(%arg9 : memref<8x2x8x128xf32, #tpu.memory_space<vmem>>)
        tpu.yield
      }) : () -> ()
      %scan3A_58 = arith.constant 0 : i32
      %scan3A_59 = arith.constant 0 : i32
      %scan3A_60 = arith.constant 16 : i32
      %scan3A_61 = arith.addi %scan3A_59, %scan3A_60 : i32
      %scan3A_62 = arith.constant 1 : i32
      %scan3A_63 = scf.for %scan3A_66 = %scan3A_59 to %scan3A_61 step %scan3A_62 iter_args(%scan3A_67 = %scan3A_58) -> (i32)  : i32 {
        %jit3A_68 = arith.constant 8 : i32
        %eq3A = arith.constant 0 : i32
        %eq3A_69 = arith.cmpi eq, %jit3A_68, %eq3A : i32
        %jit3A_70 = arith.constant 1 : i32
        %select_n3A_71 = arith.select %eq3A_69, %jit3A_70, %jit3A_68 : i32
        %rem3A_72 = arith.remsi %scan3A_66, %select_n3A_71 : i32
        %ne3A_73 = arith.constant 0 : i32
        %ne3A_74 = arith.cmpi ne, %rem3A_72, %ne3A_73 : i32
        %lt3A = arith.constant 0 : i32
        %lt3A_75 = arith.cmpi slt, %rem3A_72, %lt3A : i32
        %lt3A_76 = arith.constant 0 : i32
        %lt3A_77 = arith.cmpi slt, %select_n3A_71, %lt3A_76 : i32
        %ne3A_78 = arith.xori %lt3A_75, %lt3A_77 : i1
        %and3A_79 = arith.andi %ne3A_78, %ne3A_74 : i1
        %add3A_80 = arith.addi %rem3A_72, %select_n3A_71 : i32
        %select_n3A_81 = arith.select %and3A_79, %add3A_80, %rem3A_72 : i32
        %mul3A_82 = arith.constant 16 : i32
        %mul3A_83 = arith.muli %select_n3A_81, %mul3A_82 : i32
        %jit3A_84 = arith.constant 8 : i32
        %div3A_85 = arith.divsi %scan3A_66, %jit3A_84 : i32
        %sign3A_86 = arith.constant 0 : i32
        %sign3A_87 = arith.cmpi sgt, %scan3A_66, %sign3A_86 : i32
        %sign3A_88 = arith.extui %sign3A_87 : i1 to i32
        %sign3A_89 = arith.constant 0 : i32
        %sign3A_90 = arith.cmpi slt, %scan3A_66, %sign3A_89 : i32
        %sign3A_91 = arith.extui %sign3A_90 : i1 to i32
        %sign3A_92 = arith.subi %sign3A_88, %sign3A_91 : i32
        %sign3A_93 = arith.constant 0 : i32
        %sign3A_94 = arith.cmpi sgt, %jit3A_84, %sign3A_93 : i32
        %sign3A_95 = arith.extui %sign3A_94 : i1 to i32
        %sign3A_96 = arith.constant 0 : i32
        %sign3A_97 = arith.cmpi slt, %jit3A_84, %sign3A_96 : i32
        %sign3A_98 = arith.extui %sign3A_97 : i1 to i32
        %sign3A_99 = arith.subi %sign3A_95, %sign3A_98 : i32
        %ne3A_100 = arith.cmpi ne, %sign3A_92, %sign3A_99 : i32
        %rem3A_101 = arith.remsi %scan3A_66, %jit3A_84 : i32
        %ne3A_102 = arith.constant 0 : i32
        %ne3A_103 = arith.cmpi ne, %rem3A_101, %ne3A_102 : i32
        %and3A_104 = arith.andi %ne3A_100, %ne3A_103 : i1
        %sub3A_105 = arith.constant 1 : i32
        %sub3A_106 = arith.subi %div3A_85, %sub3A_105 : i32
        %select_n3A_107 = arith.select %and3A_104, %sub3A_106, %div3A_85 : i32
        %get3A = arith.constant 0 : index
        %get3A_108 = tpu.vector_load %arg13[%get3A] {strides = array<i32>} : memref<16xf32, #tpu.memory_space<vmem>>, vector<16xf32>,
        %get3A_109 = vector.shape_cast %get3A_108 : vector<16xf32> to vector<16xf32>
        %get3A_110 = arith.constant 0 : i32
        %get3A_111 = arith.constant 0 : i32
        %get3A_112 = arith.index_cast %get3A_110 : i32 to index
        %get3A_113 = arith.index_cast %select_n3A_107 : i32 to index
        %get3A_114 = arith.index_cast %get3A_111 : i32 to index
        %get3A_115 = arith.index_cast %mul3A_83 : i32 to index
        %get3A_116 = tpu.vector_load %arg8[%get3A_112, %get3A_113, %get3A_114, %get3A_115] {strides = array<i32>} : memref<8x2x8x128xf32, #tpu.memory_space<vmem>>, vector<1x1x1x16xf32>,
        %get3A_117 = vector.shape_cast %get3A_116 : vector<1x1x1x16xf32> to vector<16xf32>
        %get3A_118 = arith.constant 0 : i32
        %get3A_119 = arith.constant 0 : i32
        %get3A_120 = arith.index_cast %get3A_118 : i32 to index
        %get3A_121 = arith.index_cast %select_n3A_107 : i32 to index
        %get3A_122 = arith.index_cast %get3A_119 : i32 to index
        %get3A_123 = arith.index_cast %mul3A_83 : i32 to index
        %get3A_124 = tpu.vector_load %arg9[%get3A_120, %get3A_121, %get3A_122, %get3A_123] {strides = array<i32>} : memref<8x2x8x128xf32, #tpu.memory_space<vmem>>, vector<1x1x1x16xf32>,
        %get3A_125 = vector.shape_cast %get3A_124 : vector<1x1x1x16xf32> to vector<16xf32>
        %mul3A_126 = arith.mulf %get3A_117, %get3A_125 : vector<16xf32>
        %add3A_127 = arith.addf %get3A_109, %mul3A_126 : vector<16xf32>
        %get3A_128 = arith.constant 0 : i32
        %get3A_129 = arith.constant 1 : i32
        %get3A_130 = arith.index_cast %get3A_128 : i32 to index
        %get3A_131 = arith.index_cast %select_n3A_107 : i32 to index
        %get3A_132 = arith.index_cast %get3A_129 : i32 to index
        %get3A_133 = arith.index_cast %mul3A_83 : i32 to index
        %get3A_134 = tpu.vector_load %arg8[%get3A_130, %get3A_131, %get3A_132, %get3A_133] {strides = array<i32>} : memref<8x2x8x128xf32, #tpu.memory_space<vmem>>, vector<1x1x1x16xf32>,
        %get3A_135 = vector.shape_cast %get3A_134 : vector<1x1x1x16xf32> to vector<16xf32>
        %get3A_136 = arith.constant 0 : i32
        %get3A_137 = arith.constant 1 : i32
        %get3A_138 = arith.index_cast %get3A_136 : i32 to index
        %get3A_139 = arith.index_cast %select_n3A_107 : i32 to index
        %get3A_140 = arith.index_cast %get3A_137 : i32 to index
        %get3A_141 = arith.index_cast %mul3A_83 : i32 to index
        %get3A_142 = tpu.vector_load %arg9[%get3A_138, %get3A_139, %get3A_140, %get3A_141] {strides = array<i32>} : memref<8x2x8x128xf32, #tpu.memory_space<vmem>>, vector<1x1x1x16xf32>,
        %get3A_143 = vector.shape_cast %get3A_142 : vector<1x1x1x16xf32> to vector<16xf32>
        %mul3A_144 = arith.mulf %get3A_135, %get3A_143 : vector<16xf32>
        %add3A_145 = arith.addf %add3A_127, %mul3A_144 : vector<16xf32>
        %get3A_146 = arith.constant 0 : i32
        %get3A_147 = arith.constant 2 : i32
        %get3A_148 = arith.index_cast %get3A_146 : i32 to index
        %get3A_149 = arith.index_cast %select_n3A_107 : i32 to index
        %get3A_150 = arith.index_cast %get3A_147 : i32 to index
        %get3A_151 = arith.index_cast %mul3A_83 : i32 to index
        %get3A_152 = tpu.vector_load %arg8[%get3A_148, %get3A_149, %get3A_150, %get3A_151] {strides = array<i32>} : memref<8x2x8x128xf32, #tpu.memory_space<vmem>>, vector<1x1x1x16xf32>,
        %get3A_153 = vector.shape_cast %get3A_152 : vector<1x1x1x16xf32> to vector<16xf32>
        %get3A_154 = arith.constant 0 : i32
        %get3A_155 = arith.constant 2 : i32
        %get3A_156 = arith.index_cast %get3A_154 : i32 to index
        %get3A_157 = arith.index_cast %select_n3A_107 : i32 to index
        %get3A_158 = arith.index_cast %get3A_155 : i32 to index
        %get3A_159 = arith.index_cast %mul3A_83 : i32 to index
        %get3A_160 = tpu.vector_load %arg9[%get3A_156, %get3A_157, %get3A_158, %get3A_159] {strides = array<i32>} : memref<8x2x8x128xf32, #tpu.memory_space<vmem>>, vector<1x1x1x16xf32>,
        %get3A_161 = vector.shape_cast %get3A_160 : vector<1x1x1x16xf32> to vector<16xf32>
        %mul3A_162 = arith.mulf %get3A_153, %get3A_161 : vector<16xf32>
        %add3A_163 = arith.addf %add3A_145, %mul3A_162 : vector<16xf32>
        %get3A_164 = arith.constant 0 : i32
        %get3A_165 = arith.constant 3 : i32
        %get3A_166 = arith.index_cast %get3A_164 : i32 to index
        %get3A_167 = arith.index_cast %select_n3A_107 : i32 to index
        %get3A_168 = arith.index_cast %get3A_165 : i32 to index
        %get3A_169 = arith.index_cast %mul3A_83 : i32 to index
        %get3A_170 = tpu.vector_load %arg8[%get3A_166, %get3A_167, %get3A_168, %get3A_169] {strides = array<i32>} : memref<8x2x8x128xf32, #tpu.memory_space<vmem>>, vector<1x1x1x16xf32>,
        %get3A_171 = vector.shape_cast %get3A_170 : vector<1x1x1x16xf32> to vector<16xf32>
        %get3A_172 = arith.constant 0 : i32
        %get3A_173 = arith.constant 3 : i32
        %get3A_174 = arith.index_cast %get3A_172 : i32 to index
        %get3A_175 = arith.index_cast %select_n3A_107 : i32 to index
        %get3A_176 = arith.index_cast %get3A_173 : i32 to index
        %get3A_177 = arith.index_cast %mul3A_83 : i32 to index
        %get3A_178 = tpu.vector_load %arg9[%get3A_174, %get3A_175, %get3A_176, %get3A_177] {strides = array<i32>} : memref<8x2x8x128xf32, #tpu.memory_space<vmem>>, vector<1x1x1x16xf32>,
        %get3A_179 = vector.shape_cast %get3A_178 : vector<1x1x1x16xf32> to vector<16xf32>
        %mul3A_180 = arith.mulf %get3A_171, %get3A_179 : vector<16xf32>
        %add3A_181 = arith.addf %add3A_163, %mul3A_180 : vector<16xf32>
        %get3A_182 = arith.constant 0 : i32
        %get3A_183 = arith.constant 4 : i32
        %get3A_184 = arith.index_cast %get3A_182 : i32 to index
        %get3A_185 = arith.index_cast %select_n3A_107 : i32 to index
        %get3A_186 = arith.index_cast %get3A_183 : i32 to index
        %get3A_187 = arith.index_cast %mul3A_83 : i32 to index
        %get3A_188 = tpu.vector_load %arg8[%get3A_184, %get3A_185, %get3A_186, %get3A_187] {strides = array<i32>} : memref<8x2x8x128xf32, #tpu.memory_space<vmem>>, vector<1x1x1x16xf32>,
        %get3A_189 = vector.shape_cast %get3A_188 : vector<1x1x1x16xf32> to vector<16xf32>
        %get3A_190 = arith.constant 0 : i32
        %get3A_191 = arith.constant 4 : i32
        %get3A_192 = arith.index_cast %get3A_190 : i32 to index
        %get3A_193 = arith.index_cast %select_n3A_107 : i32 to index
        %get3A_194 = arith.index_cast %get3A_191 : i32 to index
        %get3A_195 = arith.index_cast %mul3A_83 : i32 to index
        %get3A_196 = tpu.vector_load %arg9[%get3A_192, %get3A_193, %get3A_194, %get3A_195] {strides = array<i32>} : memref<8x2x8x128xf32, #tpu.memory_space<vmem>>, vector<1x1x1x16xf32>,
        %get3A_197 = vector.shape_cast %get3A_196 : vector<1x1x1x16xf32> to vector<16xf32>
        %mul3A_198 = arith.mulf %get3A_189, %get3A_197 : vector<16xf32>
        %add3A_199 = arith.addf %add3A_181, %mul3A_198 : vector<16xf32>
        %get3A_200 = arith.constant 0 : i32
        %get3A_201 = arith.constant 5 : i32
        %get3A_202 = arith.index_cast %get3A_200 : i32 to index
        %get3A_203 = arith.index_cast %select_n3A_107 : i32 to index
        %get3A_204 = arith.index_cast %get3A_201 : i32 to index
        %get3A_205 = arith.index_cast %mul3A_83 : i32 to index
        %get3A_206 = tpu.vector_load %arg8[%get3A_202, %get3A_203, %get3A_204, %get3A_205] {strides = array<i32>} : memref<8x2x8x128xf32, #tpu.memory_space<vmem>>, vector<1x1x1x16xf32>,
        %get3A_207 = vector.shape_cast %get3A_206 : vector<1x1x1x16xf32> to vector<16xf32>
        %get3A_208 = arith.constant 0 : i32
        %get3A_209 = arith.constant 5 : i32
        %get3A_210 = arith.index_cast %get3A_208 : i32 to index
        %get3A_211 = arith.index_cast %select_n3A_107 : i32 to index
        %get3A_212 = arith.index_cast %get3A_209 : i32 to index
        %get3A_213 = arith.index_cast %mul3A_83 : i32 to index
        %get3A_214 = tpu.vector_load %arg9[%get3A_210, %get3A_211, %get3A_212, %get3A_213] {strides = array<i32>} : memref<8x2x8x128xf32, #tpu.memory_space<vmem>>, vector<1x1x1x16xf32>,
        %get3A_215 = vector.shape_cast %get3A_214 : vector<1x1x1x16xf32> to vector<16xf32>
        %mul3A_216 = arith.mulf %get3A_207, %get3A_215 : vector<16xf32>
        %add3A_217 = arith.addf %add3A_199, %mul3A_216 : vector<16xf32>
        %get3A_218 = arith.constant 0 : i32
        %get3A_219 = arith.constant 6 : i32
        %get3A_220 = arith.index_cast %get3A_218 : i32 to index
        %get3A_221 = arith.index_cast %select_n3A_107 : i32 to index
        %get3A_222 = arith.index_cast %get3A_219 : i32 to index
        %get3A_223 = arith.index_cast %mul3A_83 : i32 to index
        %get3A_224 = tpu.vector_load %arg8[%get3A_220, %get3A_221, %get3A_222, %get3A_223] {strides = array<i32>} : memref<8x2x8x128xf32, #tpu.memory_space<vmem>>, vector<1x1x1x16xf32>,
        %get3A_225 = vector.shape_cast %get3A_224 : vector<1x1x1x16xf32> to vector<16xf32>
        %get3A_226 = arith.constant 0 : i32
        %get3A_227 = arith.constant 6 : i32
        %get3A_228 = arith.index_cast %get3A_226 : i32 to index
        %get3A_229 = arith.index_cast %select_n3A_107 : i32 to index
        %get3A_230 = arith.index_cast %get3A_227 : i32 to index
        %get3A_231 = arith.index_cast %mul3A_83 : i32 to index
        %get3A_232 = tpu.vector_load %arg9[%get3A_228, %get3A_229, %get3A_230, %get3A_231] {strides = array<i32>} : memref<8x2x8x128xf32, #tpu.memory_space<vmem>>, vector<1x1x1x16xf32>,
        %get3A_233 = vector.shape_cast %get3A_232 : vector<1x1x1x16xf32> to vector<16xf32>
        %mul3A_234 = arith.mulf %get3A_225, %get3A_233 : vector<16xf32>
        %add3A_235 = arith.addf %add3A_217, %mul3A_234 : vector<16xf32>
        %get3A_236 = arith.constant 0 : i32
        %get3A_237 = arith.constant 7 : i32
        %get3A_238 = arith.index_cast %get3A_236 : i32 to index
        %get3A_239 = arith.index_cast %select_n3A_107 : i32 to index
        %get3A_240 = arith.index_cast %get3A_237 : i32 to index
        %get3A_241 = arith.index_cast %mul3A_83 : i32 to index
        %get3A_242 = tpu.vector_load %arg8[%get3A_238, %get3A_239, %get3A_240, %get3A_241] {strides = array<i32>} : memref<8x2x8x128xf32, #tpu.memory_space<vmem>>, vector<1x1x1x16xf32>,
        %get3A_243 = vector.shape_cast %get3A_242 : vector<1x1x1x16xf32> to vector<16xf32>
        %get3A_244 = arith.constant 0 : i32
        %get3A_245 = arith.constant 7 : i32
        %get3A_246 = arith.index_cast %get3A_244 : i32 to index
        %get3A_247 = arith.index_cast %select_n3A_107 : i32 to index
        %get3A_248 = arith.index_cast %get3A_245 : i32 to index
        %get3A_249 = arith.index_cast %mul3A_83 : i32 to index
        %get3A_250 = tpu.vector_load %arg9[%get3A_246, %get3A_247, %get3A_248, %get3A_249] {strides = array<i32>} : memref<8x2x8x128xf32, #tpu.memory_space<vmem>>, vector<1x1x1x16xf32>,
        %get3A_251 = vector.shape_cast %get3A_250 : vector<1x1x1x16xf32> to vector<16xf32>
        %mul3A_252 = arith.mulf %get3A_243, %get3A_251 : vector<16xf32>
        %add3A_253 = arith.addf %add3A_235, %mul3A_252 : vector<16xf32>
        %get3A_254 = arith.constant 1 : i32
        %get3A_255 = arith.constant 0 : i32
        %get3A_256 = arith.index_cast %get3A_254 : i32 to index
        %get3A_257 = arith.index_cast %select_n3A_107 : i32 to index
        %get3A_258 = arith.index_cast %get3A_255 : i32 to index
        %get3A_259 = arith.index_cast %mul3A_83 : i32 to index
        %get3A_260 = tpu.vector_load %arg8[%get3A_256, %get3A_257, %get3A_258, %get3A_259] {strides = array<i32>} : memref<8x2x8x128xf32, #tpu.memory_space<vmem>>, vector<1x1x1x16xf32>,
        %get3A_261 = vector.shape_cast %get3A_260 : vector<1x1x1x16xf32> to vector<16xf32>
        %get3A_262 = arith.constant 1 : i32
        %get3A_263 = arith.constant 0 : i32
        %get3A_264 = arith.index_cast %get3A_262 : i32 to index
        %get3A_265 = arith.index_cast %select_n3A_107 : i32 to index
        %get3A_266 = arith.index_cast %get3A_263 : i32 to index
        %get3A_267 = arith.index_cast %mul3A_83 : i32 to index
        %get3A_268 = tpu.vector_load %arg9[%get3A_264, %get3A_265, %get3A_266, %get3A_267] {strides = array<i32>} : memref<8x2x8x128xf32, #tpu.memory_space<vmem>>, vector<1x1x1x16xf32>,
        %get3A_269 = vector.shape_cast %get3A_268 : vector<1x1x1x16xf32> to vector<16xf32>
        %mul3A_270 = arith.mulf %get3A_261, %get3A_269 : vector<16xf32>
        %add3A_271 = arith.addf %add3A_253, %mul3A_270 : vector<16xf32>
        %get3A_272 = arith.constant 1 : i32
        %get3A_273 = arith.constant 1 : i32
        %get3A_274 = arith.index_cast %get3A_272 : i32 to index
        %get3A_275 = arith.index_cast %select_n3A_107 : i32 to index
        %get3A_276 = arith.index_cast %get3A_273 : i32 to index
        %get3A_277 = arith.index_cast %mul3A_83 : i32 to index
        %get3A_278 = tpu.vector_load %arg8[%get3A_274, %get3A_275, %get3A_276, %get3A_277] {strides = array<i32>} : memref<8x2x8x128xf32, #tpu.memory_space<vmem>>, vector<1x1x1x16xf32>,
        %get3A_279 = vector.shape_cast %get3A_278 : vector<1x1x1x16xf32> to vector<16xf32>
        %get3A_280 = arith.constant 1 : i32
        %get3A_281 = arith.constant 1 : i32
        %get3A_282 = arith.index_cast %get3A_280 : i32 to index
        %get3A_283 = arith.index_cast %select_n3A_107 : i32 to index
        %get3A_284 = arith.index_cast %get3A_281 : i32 to index
        %get3A_285 = arith.index_cast %mul3A_83 : i32 to index
        %get3A_286 = tpu.vector_load %arg9[%get3A_282, %get3A_283, %get3A_284, %get3A_285] {strides = array<i32>} : memref<8x2x8x128xf32, #tpu.memory_space<vmem>>, vector<1x1x1x16xf32>,
        %get3A_287 = vector.shape_cast %get3A_286 : vector<1x1x1x16xf32> to vector<16xf32>
        %mul3A_288 = arith.mulf %get3A_279, %get3A_287 : vector<16xf32>
        %add3A_289 = arith.addf %add3A_271, %mul3A_288 : vector<16xf32>
        %get3A_290 = arith.constant 1 : i32
        %get3A_291 = arith.constant 2 : i32
        %get3A_292 = arith.index_cast %get3A_290 : i32 to index
        %get3A_293 = arith.index_cast %select_n3A_107 : i32 to index
        %get3A_294 = arith.index_cast %get3A_291 : i32 to index
        %get3A_295 = arith.index_cast %mul3A_83 : i32 to index
        %get3A_296 = tpu.vector_load %arg8[%get3A_292, %get3A_293, %get3A_294, %get3A_295] {strides = array<i32>} : memref<8x2x8x128xf32, #tpu.memory_space<vmem>>, vector<1x1x1x16xf32>,
        %get3A_297 = vector.shape_cast %get3A_296 : vector<1x1x1x16xf32> to vector<16xf32>
        %get3A_298 = arith.constant 1 : i32
        %get3A_299 = arith.constant 2 : i32
        %get3A_300 = arith.index_cast %get3A_298 : i32 to index
        %get3A_301 = arith.index_cast %select_n3A_107 : i32 to index
        %get3A_302 = arith.index_cast %get3A_299 : i32 to index
        %get3A_303 = arith.index_cast %mul3A_83 : i32 to index
        %get3A_304 = tpu.vector_load %arg9[%get3A_300, %get3A_301, %get3A_302, %get3A_303] {strides = array<i32>} : memref<8x2x8x128xf32, #tpu.memory_space<vmem>>, vector<1x1x1x16xf32>,
        %get3A_305 = vector.shape_cast %get3A_304 : vector<1x1x1x16xf32> to vector<16xf32>
        %mul3A_306 = arith.mulf %get3A_297, %get3A_305 : vector<16xf32>
        %add3A_307 = arith.addf %add3A_289, %mul3A_306 : vector<16xf32>
        %get3A_308 = arith.constant 1 : i32
        %get3A_309 = arith.constant 3 : i32
        %get3A_310 = arith.index_cast %get3A_308 : i32 to index
        %get3A_311 = arith.index_cast %select_n3A_107 : i32 to index
        %get3A_312 = arith.index_cast %get3A_309 : i32 to index
        %get3A_313 = arith.index_cast %mul3A_83 : i32 to index
        %get3A_314 = tpu.vector_load %arg8[%get3A_310, %get3A_311, %get3A_312, %get3A_313] {strides = array<i32>} : memref<8x2x8x128xf32, #tpu.memory_space<vmem>>, vector<1x1x1x16xf32>,
        %get3A_315 = vector.shape_cast %get3A_314 : vector<1x1x1x16xf32> to vector<16xf32>
        %get3A_316 = arith.constant 1 : i32
        %get3A_317 = arith.constant 3 : i32
        %get3A_318 = arith.index_cast %get3A_316 : i32 to index
        %get3A_319 = arith.index_cast %select_n3A_107 : i32 to index
        %get3A_320 = arith.index_cast %get3A_317 : i32 to index
        %get3A_321 = arith.index_cast %mul3A_83 : i32 to index
        %get3A_322 = tpu.vector_load %arg9[%get3A_318, %get3A_319, %get3A_320, %get3A_321] {strides = array<i32>} : memref<8x2x8x128xf32, #tpu.memory_space<vmem>>, vector<1x1x1x16xf32>,
        %get3A_323 = vector.shape_cast %get3A_322 : vector<1x1x1x16xf32> to vector<16xf32>
        %mul3A_324 = arith.mulf %get3A_315, %get3A_323 : vector<16xf32>
        %add3A_325 = arith.addf %add3A_307, %mul3A_324 : vector<16xf32>
        %get3A_326 = arith.constant 1 : i32
        %get3A_327 = arith.constant 4 : i32
        %get3A_328 = arith.index_cast %get3A_326 : i32 to index
        %get3A_329 = arith.index_cast %select_n3A_107 : i32 to index
        %get3A_330 = arith.index_cast %get3A_327 : i32 to index
        %get3A_331 = arith.index_cast %mul3A_83 : i32 to index
        %get3A_332 = tpu.vector_load %arg8[%get3A_328, %get3A_329, %get3A_330, %get3A_331] {strides = array<i32>} : memref<8x2x8x128xf32, #tpu.memory_space<vmem>>, vector<1x1x1x16xf32>,
        %get3A_333 = vector.shape_cast %get3A_332 : vector<1x1x1x16xf32> to vector<16xf32>
        %get3A_334 = arith.constant 1 : i32
        %get3A_335 = arith.constant 4 : i32
        %get3A_336 = arith.index_cast %get3A_334 : i32 to index
        %get3A_337 = arith.index_cast %select_n3A_107 : i32 to index
        %get3A_338 = arith.index_cast %get3A_335 : i32 to index
        %get3A_339 = arith.index_cast %mul3A_83 : i32 to index
        %get3A_340 = tpu.vector_load %arg9[%get3A_336, %get3A_337, %get3A_338, %get3A_339] {strides = array<i32>} : memref<8x2x8x128xf32, #tpu.memory_space<vmem>>, vector<1x1x1x16xf32>,
        %get3A_341 = vector.shape_cast %get3A_340 : vector<1x1x1x16xf32> to vector<16xf32>
        %mul3A_342 = arith.mulf %get3A_333, %get3A_341 : vector<16xf32>
        %add3A_343 = arith.addf %add3A_325, %mul3A_342 : vector<16xf32>
        %get3A_344 = arith.constant 1 : i32
        %get3A_345 = arith.constant 5 : i32
        %get3A_346 = arith.index_cast %get3A_344 : i32 to index
        %get3A_347 = arith.index_cast %select_n3A_107 : i32 to index
        %get3A_348 = arith.index_cast %get3A_345 : i32 to index
        %get3A_349 = arith.index_cast %mul3A_83 : i32 to index
        %get3A_350 = tpu.vector_load %arg8[%get3A_346, %get3A_347, %get3A_348, %get3A_349] {strides = array<i32>} : memref<8x2x8x128xf32, #tpu.memory_space<vmem>>, vector<1x1x1x16xf32>,
        %get3A_351 = vector.shape_cast %get3A_350 : vector<1x1x1x16xf32> to vector<16xf32>
        %get3A_352 = arith.constant 1 : i32
        %get3A_353 = arith.constant 5 : i32
        %get3A_354 = arith.index_cast %get3A_352 : i32 to index
        %get3A_355 = arith.index_cast %select_n3A_107 : i32 to index
        %get3A_356 = arith.index_cast %get3A_353 : i32 to index
        %get3A_357 = arith.index_cast %mul3A_83 : i32 to index
        %get3A_358 = tpu.vector_load %arg9[%get3A_354, %get3A_355, %get3A_356, %get3A_357] {strides = array<i32>} : memref<8x2x8x128xf32, #tpu.memory_space<vmem>>, vector<1x1x1x16xf32>,
        %get3A_359 = vector.shape_cast %get3A_358 : vector<1x1x1x16xf32> to vector<16xf32>
        %mul3A_360 = arith.mulf %get3A_351, %get3A_359 : vector<16xf32>
        %add3A_361 = arith.addf %add3A_343, %mul3A_360 : vector<16xf32>
        %get3A_362 = arith.constant 1 : i32
        %get3A_363 = arith.constant 6 : i32
        %get3A_364 = arith.index_cast %get3A_362 : i32 to index
        %get3A_365 = arith.index_cast %select_n3A_107 : i32 to index
        %get3A_366 = arith.index_cast %get3A_363 : i32 to index
        %get3A_367 = arith.index_cast %mul3A_83 : i32 to index
        %get3A_368 = tpu.vector_load %arg8[%get3A_364, %get3A_365, %get3A_366, %get3A_367] {strides = array<i32>} : memref<8x2x8x128xf32, #tpu.memory_space<vmem>>, vector<1x1x1x16xf32>,
        %get3A_369 = vector.shape_cast %get3A_368 : vector<1x1x1x16xf32> to vector<16xf32>
        %get3A_370 = arith.constant 1 : i32
        %get3A_371 = arith.constant 6 : i32
        %get3A_372 = arith.index_cast %get3A_370 : i32 to index
        %get3A_373 = arith.index_cast %select_n3A_107 : i32 to index
        %get3A_374 = arith.index_cast %get3A_371 : i32 to index
        %get3A_375 = arith.index_cast %mul3A_83 : i32 to index
        %get3A_376 = tpu.vector_load %arg9[%get3A_372, %get3A_373, %get3A_374, %get3A_375] {strides = array<i32>} : memref<8x2x8x128xf32, #tpu.memory_space<vmem>>, vector<1x1x1x16xf32>,
        %get3A_377 = vector.shape_cast %get3A_376 : vector<1x1x1x16xf32> to vector<16xf32>
        %mul3A_378 = arith.mulf %get3A_369, %get3A_377 : vector<16xf32>
        %add3A_379 = arith.addf %add3A_361, %mul3A_378 : vector<16xf32>
        %get3A_380 = arith.constant 1 : i32
        %get3A_381 = arith.constant 7 : i32
        %get3A_382 = arith.index_cast %get3A_380 : i32 to index
        %get3A_383 = arith.index_cast %select_n3A_107 : i32 to index
        %get3A_384 = arith.index_cast %get3A_381 : i32 to index
        %get3A_385 = arith.index_cast %mul3A_83 : i32 to index
        %get3A_386 = tpu.vector_load %arg8[%get3A_382, %get3A_383, %get3A_384, %get3A_385] {strides = array<i32>} : memref<8x2x8x128xf32, #tpu.memory_space<vmem>>, vector<1x1x1x16xf32>,
        %get3A_387 = vector.shape_cast %get3A_386 : vector<1x1x1x16xf32> to vector<16xf32>
        %get3A_388 = arith.constant 1 : i32
        %get3A_389 = arith.constant 7 : i32
        %get3A_390 = arith.index_cast %get3A_388 : i32 to index
        %get3A_391 = arith.index_cast %select_n3A_107 : i32 to index
        %get3A_392 = arith.index_cast %get3A_389 : i32 to index
        %get3A_393 = arith.index_cast %mul3A_83 : i32 to index
        %get3A_394 = tpu.vector_load %arg9[%get3A_390, %get3A_391, %get3A_392, %get3A_393] {strides = array<i32>} : memref<8x2x8x128xf32, #tpu.memory_space<vmem>>, vector<1x1x1x16xf32>,
        %get3A_395 = vector.shape_cast %get3A_394 : vector<1x1x1x16xf32> to vector<16xf32>
        %mul3A_396 = arith.mulf %get3A_387, %get3A_395 : vector<16xf32>
        %add3A_397 = arith.addf %add3A_379, %mul3A_396 : vector<16xf32>
        %get3A_398 = arith.constant 2 : i32
        %get3A_399 = arith.constant 0 : i32
        %get3A_400 = arith.index_cast %get3A_398 : i32 to index
        %get3A_401 = arith.index_cast %select_n3A_107 : i32 to index
        %get3A_402 = arith.index_cast %get3A_399 : i32 to index
        %get3A_403 = arith.index_cast %mul3A_83 : i32 to index
        %get3A_404 = tpu.vector_load %arg8[%get3A_400, %get3A_401, %get3A_402, %get3A_403] {strides = array<i32>} : memref<8x2x8x128xf32, #tpu.memory_space<vmem>>, vector<1x1x1x16xf32>,
        %get3A_405 = vector.shape_cast %get3A_404 : vector<1x1x1x16xf32> to vector<16xf32>
        %get3A_406 = arith.constant 2 : i32
        %get3A_407 = arith.constant 0 : i32
        %get3A_408 = arith.index_cast %get3A_406 : i32 to index
        %get3A_409 = arith.index_cast %select_n3A_107 : i32 to index
        %get3A_410 = arith.index_cast %get3A_407 : i32 to index
        %get3A_411 = arith.index_cast %mul3A_83 : i32 to index
        %get3A_412 = tpu.vector_load %arg9[%get3A_408, %get3A_409, %get3A_410, %get3A_411] {strides = array<i32>} : memref<8x2x8x128xf32, #tpu.memory_space<vmem>>, vector<1x1x1x16xf32>,
        %get3A_413 = vector.shape_cast %get3A_412 : vector<1x1x1x16xf32> to vector<16xf32>
        %mul3A_414 = arith.mulf %get3A_405, %get3A_413 : vector<16xf32>
        %add3A_415 = arith.addf %add3A_397, %mul3A_414 : vector<16xf32>
        %get3A_416 = arith.constant 2 : i32
        %get3A_417 = arith.constant 1 : i32
        %get3A_418 = arith.index_cast %get3A_416 : i32 to index
        %get3A_419 = arith.index_cast %select_n3A_107 : i32 to index
        %get3A_420 = arith.index_cast %get3A_417 : i32 to index
        %get3A_421 = arith.index_cast %mul3A_83 : i32 to index
        %get3A_422 = tpu.vector_load %arg8[%get3A_418, %get3A_419, %get3A_420, %get3A_421] {strides = array<i32>} : memref<8x2x8x128xf32, #tpu.memory_space<vmem>>, vector<1x1x1x16xf32>,
        %get3A_423 = vector.shape_cast %get3A_422 : vector<1x1x1x16xf32> to vector<16xf32>
        %get3A_424 = arith.constant 2 : i32
        %get3A_425 = arith.constant 1 : i32
        %get3A_426 = arith.index_cast %get3A_424 : i32 to index
        %get3A_427 = arith.index_cast %select_n3A_107 : i32 to index
        %get3A_428 = arith.index_cast %get3A_425 : i32 to index
        %get3A_429 = arith.index_cast %mul3A_83 : i32 to index
        %get3A_430 = tpu.vector_load %arg9[%get3A_426, %get3A_427, %get3A_428, %get3A_429] {strides = array<i32>} : memref<8x2x8x128xf32, #tpu.memory_space<vmem>>, vector<1x1x1x16xf32>,
        %get3A_431 = vector.shape_cast %get3A_430 : vector<1x1x1x16xf32> to vector<16xf32>
        %mul3A_432 = arith.mulf %get3A_423, %get3A_431 : vector<16xf32>
        %add3A_433 = arith.addf %add3A_415, %mul3A_432 : vector<16xf32>
        %get3A_434 = arith.constant 2 : i32
        %get3A_435 = arith.constant 2 : i32
        %get3A_436 = arith.index_cast %get3A_434 : i32 to index
        %get3A_437 = arith.index_cast %select_n3A_107 : i32 to index
        %get3A_438 = arith.index_cast %get3A_435 : i32 to index
        %get3A_439 = arith.index_cast %mul3A_83 : i32 to index
        %get3A_440 = tpu.vector_load %arg8[%get3A_436, %get3A_437, %get3A_438, %get3A_439] {strides = array<i32>} : memref<8x2x8x128xf32, #tpu.memory_space<vmem>>, vector<1x1x1x16xf32>,
        %get3A_441 = vector.shape_cast %get3A_440 : vector<1x1x1x16xf32> to vector<16xf32>
        %get3A_442 = arith.constant 2 : i32
        %get3A_443 = arith.constant 2 : i32
        %get3A_444 = arith.index_cast %get3A_442 : i32 to index
        %get3A_445 = arith.index_cast %select_n3A_107 : i32 to index
        %get3A_446 = arith.index_cast %get3A_443 : i32 to index
        %get3A_447 = arith.index_cast %mul3A_83 : i32 to index
        %get3A_448 = tpu.vector_load %arg9[%get3A_444, %get3A_445, %get3A_446, %get3A_447] {strides = array<i32>} : memref<8x2x8x128xf32, #tpu.memory_space<vmem>>, vector<1x1x1x16xf32>,
        %get3A_449 = vector.shape_cast %get3A_448 : vector<1x1x1x16xf32> to vector<16xf32>
        %mul3A_450 = arith.mulf %get3A_441, %get3A_449 : vector<16xf32>
        %add3A_451 = arith.addf %add3A_433, %mul3A_450 : vector<16xf32>
        %get3A_452 = arith.constant 2 : i32
        %get3A_453 = arith.constant 3 : i32
        %get3A_454 = arith.index_cast %get3A_452 : i32 to index
        %get3A_455 = arith.index_cast %select_n3A_107 : i32 to index
        %get3A_456 = arith.index_cast %get3A_453 : i32 to index
        %get3A_457 = arith.index_cast %mul3A_83 : i32 to index
        %get3A_458 = tpu.vector_load %arg8[%get3A_454, %get3A_455, %get3A_456, %get3A_457] {strides = array<i32>} : memref<8x2x8x128xf32, #tpu.memory_space<vmem>>, vector<1x1x1x16xf32>,
        %get3A_459 = vector.shape_cast %get3A_458 : vector<1x1x1x16xf32> to vector<16xf32>
        %get3A_460 = arith.constant 2 : i32
        %get3A_461 = arith.constant 3 : i32
        %get3A_462 = arith.index_cast %get3A_460 : i32 to index
        %get3A_463 = arith.index_cast %select_n3A_107 : i32 to index
        %get3A_464 = arith.index_cast %get3A_461 : i32 to index
        %get3A_465 = arith.index_cast %mul3A_83 : i32 to index
        %get3A_466 = tpu.vector_load %arg9[%get3A_462, %get3A_463, %get3A_464, %get3A_465] {strides = array<i32>} : memref<8x2x8x128xf32, #tpu.memory_space<vmem>>, vector<1x1x1x16xf32>,
        %get3A_467 = vector.shape_cast %get3A_466 : vector<1x1x1x16xf32> to vector<16xf32>
        %mul3A_468 = arith.mulf %get3A_459, %get3A_467 : vector<16xf32>
        %add3A_469 = arith.addf %add3A_451, %mul3A_468 : vector<16xf32>
        %get3A_470 = arith.constant 2 : i32
        %get3A_471 = arith.constant 4 : i32
        %get3A_472 = arith.index_cast %get3A_470 : i32 to index
        %get3A_473 = arith.index_cast %select_n3A_107 : i32 to index
        %get3A_474 = arith.index_cast %get3A_471 : i32 to index
        %get3A_475 = arith.index_cast %mul3A_83 : i32 to index
        %get3A_476 = tpu.vector_load %arg8[%get3A_472, %get3A_473, %get3A_474, %get3A_475] {strides = array<i32>} : memref<8x2x8x128xf32, #tpu.memory_space<vmem>>, vector<1x1x1x16xf32>,
        %get3A_477 = vector.shape_cast %get3A_476 : vector<1x1x1x16xf32> to vector<16xf32>
        %get3A_478 = arith.constant 2 : i32
        %get3A_479 = arith.constant 4 : i32
        %get3A_480 = arith.index_cast %get3A_478 : i32 to index
        %get3A_481 = arith.index_cast %select_n3A_107 : i32 to index
        %get3A_482 = arith.index_cast %get3A_479 : i32 to index
        %get3A_483 = arith.index_cast %mul3A_83 : i32 to index
        %get3A_484 = tpu.vector_load %arg9[%get3A_480, %get3A_481, %get3A_482, %get3A_483] {strides = array<i32>} : memref<8x2x8x128xf32, #tpu.memory_space<vmem>>, vector<1x1x1x16xf32>,
        %get3A_485 = vector.shape_cast %get3A_484 : vector<1x1x1x16xf32> to vector<16xf32>
        %mul3A_486 = arith.mulf %get3A_477, %get3A_485 : vector<16xf32>
        %add3A_487 = arith.addf %add3A_469, %mul3A_486 : vector<16xf32>
        %get3A_488 = arith.constant 2 : i32
        %get3A_489 = arith.constant 5 : i32
        %get3A_490 = arith.index_cast %get3A_488 : i32 to index
        %get3A_491 = arith.index_cast %select_n3A_107 : i32 to index
        %get3A_492 = arith.index_cast %get3A_489 : i32 to index
        %get3A_493 = arith.index_cast %mul3A_83 : i32 to index
        %get3A_494 = tpu.vector_load %arg8[%get3A_490, %get3A_491, %get3A_492, %get3A_493] {strides = array<i32>} : memref<8x2x8x128xf32, #tpu.memory_space<vmem>>, vector<1x1x1x16xf32>,
        %get3A_495 = vector.shape_cast %get3A_494 : vector<1x1x1x16xf32> to vector<16xf32>
        %get3A_496 = arith.constant 2 : i32
        %get3A_497 = arith.constant 5 : i32
        %get3A_498 = arith.index_cast %get3A_496 : i32 to index
        %get3A_499 = arith.index_cast %select_n3A_107 : i32 to index
        %get3A_500 = arith.index_cast %get3A_497 : i32 to index
        %get3A_501 = arith.index_cast %mul3A_83 : i32 to index
        %get3A_502 = tpu.vector_load %arg9[%get3A_498, %get3A_499, %get3A_500, %get3A_501] {strides = array<i32>} : memref<8x2x8x128xf32, #tpu.memory_space<vmem>>, vector<1x1x1x16xf32>,
        %get3A_503 = vector.shape_cast %get3A_502 : vector<1x1x1x16xf32> to vector<16xf32>
        %mul3A_504 = arith.mulf %get3A_495, %get3A_503 : vector<16xf32>
        %add3A_505 = arith.addf %add3A_487, %mul3A_504 : vector<16xf32>
        %get3A_506 = arith.constant 2 : i32
        %get3A_507 = arith.constant 6 : i32
        %get3A_508 = arith.index_cast %get3A_506 : i32 to index
        %get3A_509 = arith.index_cast %select_n3A_107 : i32 to index
        %get3A_510 = arith.index_cast %get3A_507 : i32 to index
        %get3A_511 = arith.index_cast %mul3A_83 : i32 to index
        %get3A_512 = tpu.vector_load %arg8[%get3A_508, %get3A_509, %get3A_510, %get3A_511] {strides = array<i32>} : memref<8x2x8x128xf32, #tpu.memory_space<vmem>>, vector<1x1x1x16xf32>,
        %get3A_513 = vector.shape_cast %get3A_512 : vector<1x1x1x16xf32> to vector<16xf32>
        %get3A_514 = arith.constant 2 : i32
        %get3A_515 = arith.constant 6 : i32
        %get3A_516 = arith.index_cast %get3A_514 : i32 to index
        %get3A_517 = arith.index_cast %select_n3A_107 : i32 to index
        %get3A_518 = arith.index_cast %get3A_515 : i32 to index
        %get3A_519 = arith.index_cast %mul3A_83 : i32 to index
        %get3A_520 = tpu.vector_load %arg9[%get3A_516, %get3A_517, %get3A_518, %get3A_519] {strides = array<i32>} : memref<8x2x8x128xf32, #tpu.memory_space<vmem>>, vector<1x1x1x16xf32>,
        %get3A_521 = vector.shape_cast %get3A_520 : vector<1x1x1x16xf32> to vector<16xf32>
        %mul3A_522 = arith.mulf %get3A_513, %get3A_521 : vector<16xf32>
        %add3A_523 = arith.addf %add3A_505, %mul3A_522 : vector<16xf32>
        %get3A_524 = arith.constant 2 : i32
        %get3A_525 = arith.constant 7 : i32
        %get3A_526 = arith.index_cast %get3A_524 : i32 to index
        %get3A_527 = arith.index_cast %select_n3A_107 : i32 to index
        %get3A_528 = arith.index_cast %get3A_525 : i32 to index
        %get3A_529 = arith.index_cast %mul3A_83 : i32 to index
        %get3A_530 = tpu.vector_load %arg8[%get3A_526, %get3A_527, %get3A_528, %get3A_529] {strides = array<i32>} : memref<8x2x8x128xf32, #tpu.memory_space<vmem>>, vector<1x1x1x16xf32>,
        %get3A_531 = vector.shape_cast %get3A_530 : vector<1x1x1x16xf32> to vector<16xf32>
        %get3A_532 = arith.constant 2 : i32
        %get3A_533 = arith.constant 7 : i32
        %get3A_534 = arith.index_cast %get3A_532 : i32 to index
        %get3A_535 = arith.index_cast %select_n3A_107 : i32 to index
        %get3A_536 = arith.index_cast %get3A_533 : i32 to index
        %get3A_537 = arith.index_cast %mul3A_83 : i32 to index
        %get3A_538 = tpu.vector_load %arg9[%get3A_534, %get3A_535, %get3A_536, %get3A_537] {strides = array<i32>} : memref<8x2x8x128xf32, #tpu.memory_space<vmem>>, vector<1x1x1x16xf32>,
        %get3A_539 = vector.shape_cast %get3A_538 : vector<1x1x1x16xf32> to vector<16xf32>
        %mul3A_540 = arith.mulf %get3A_531, %get3A_539 : vector<16xf32>
        %add3A_541 = arith.addf %add3A_523, %mul3A_540 : vector<16xf32>
        %get3A_542 = arith.constant 3 : i32
        %get3A_543 = arith.constant 0 : i32
        %get3A_544 = arith.index_cast %get3A_542 : i32 to index
        %get3A_545 = arith.index_cast %select_n3A_107 : i32 to index
        %get3A_546 = arith.index_cast %get3A_543 : i32 to index
        %get3A_547 = arith.index_cast %mul3A_83 : i32 to index
        %get3A_548 = tpu.vector_load %arg8[%get3A_544, %get3A_545, %get3A_546, %get3A_547] {strides = array<i32>} : memref<8x2x8x128xf32, #tpu.memory_space<vmem>>, vector<1x1x1x16xf32>,
        %get3A_549 = vector.shape_cast %get3A_548 : vector<1x1x1x16xf32> to vector<16xf32>
        %get3A_550 = arith.constant 3 : i32
        %get3A_551 = arith.constant 0 : i32
        %get3A_552 = arith.index_cast %get3A_550 : i32 to index
        %get3A_553 = arith.index_cast %select_n3A_107 : i32 to index
        %get3A_554 = arith.index_cast %get3A_551 : i32 to index
        %get3A_555 = arith.index_cast %mul3A_83 : i32 to index
        %get3A_556 = tpu.vector_load %arg9[%get3A_552, %get3A_553, %get3A_554, %get3A_555] {strides = array<i32>} : memref<8x2x8x128xf32, #tpu.memory_space<vmem>>, vector<1x1x1x16xf32>,
        %get3A_557 = vector.shape_cast %get3A_556 : vector<1x1x1x16xf32> to vector<16xf32>
        %mul3A_558 = arith.mulf %get3A_549, %get3A_557 : vector<16xf32>
        %add3A_559 = arith.addf %add3A_541, %mul3A_558 : vector<16xf32>
        %get3A_560 = arith.constant 3 : i32
        %get3A_561 = arith.constant 1 : i32
        %get3A_562 = arith.index_cast %get3A_560 : i32 to index
        %get3A_563 = arith.index_cast %select_n3A_107 : i32 to index
        %get3A_564 = arith.index_cast %get3A_561 : i32 to index
        %get3A_565 = arith.index_cast %mul3A_83 : i32 to index
        %get3A_566 = tpu.vector_load %arg8[%get3A_562, %get3A_563, %get3A_564, %get3A_565] {strides = array<i32>} : memref<8x2x8x128xf32, #tpu.memory_space<vmem>>, vector<1x1x1x16xf32>,
        %get3A_567 = vector.shape_cast %get3A_566 : vector<1x1x1x16xf32> to vector<16xf32>
        %get3A_568 = arith.constant 3 : i32
        %get3A_569 = arith.constant 1 : i32
        %get3A_570 = arith.index_cast %get3A_568 : i32 to index
        %get3A_571 = arith.index_cast %select_n3A_107 : i32 to index
        %get3A_572 = arith.index_cast %get3A_569 : i32 to index
        %get3A_573 = arith.index_cast %mul3A_83 : i32 to index
        %get3A_574 = tpu.vector_load %arg9[%get3A_570, %get3A_571, %get3A_572, %get3A_573] {strides = array<i32>} : memref<8x2x8x128xf32, #tpu.memory_space<vmem>>, vector<1x1x1x16xf32>,
        %get3A_575 = vector.shape_cast %get3A_574 : vector<1x1x1x16xf32> to vector<16xf32>
        %mul3A_576 = arith.mulf %get3A_567, %get3A_575 : vector<16xf32>
        %add3A_577 = arith.addf %add3A_559, %mul3A_576 : vector<16xf32>
        %get3A_578 = arith.constant 3 : i32
        %get3A_579 = arith.constant 2 : i32
        %get3A_580 = arith.index_cast %get3A_578 : i32 to index
        %get3A_581 = arith.index_cast %select_n3A_107 : i32 to index
        %get3A_582 = arith.index_cast %get3A_579 : i32 to index
        %get3A_583 = arith.index_cast %mul3A_83 : i32 to index
        %get3A_584 = tpu.vector_load %arg8[%get3A_580, %get3A_581, %get3A_582, %get3A_583] {strides = array<i32>} : memref<8x2x8x128xf32, #tpu.memory_space<vmem>>, vector<1x1x1x16xf32>,
        %get3A_585 = vector.shape_cast %get3A_584 : vector<1x1x1x16xf32> to vector<16xf32>
        %get3A_586 = arith.constant 3 : i32
        %get3A_587 = arith.constant 2 : i32
        %get3A_588 = arith.index_cast %get3A_586 : i32 to index
        %get3A_589 = arith.index_cast %select_n3A_107 : i32 to index
        %get3A_590 = arith.index_cast %get3A_587 : i32 to index
        %get3A_591 = arith.index_cast %mul3A_83 : i32 to index
        %get3A_592 = tpu.vector_load %arg9[%get3A_588, %get3A_589, %get3A_590, %get3A_591] {strides = array<i32>} : memref<8x2x8x128xf32, #tpu.memory_space<vmem>>, vector<1x1x1x16xf32>,
        %get3A_593 = vector.shape_cast %get3A_592 : vector<1x1x1x16xf32> to vector<16xf32>
        %mul3A_594 = arith.mulf %get3A_585, %get3A_593 : vector<16xf32>
        %add3A_595 = arith.addf %add3A_577, %mul3A_594 : vector<16xf32>
        %get3A_596 = arith.constant 3 : i32
        %get3A_597 = arith.constant 3 : i32
        %get3A_598 = arith.index_cast %get3A_596 : i32 to index
        %get3A_599 = arith.index_cast %select_n3A_107 : i32 to index
        %get3A_600 = arith.index_cast %get3A_597 : i32 to index
        %get3A_601 = arith.index_cast %mul3A_83 : i32 to index
        %get3A_602 = tpu.vector_load %arg8[%get3A_598, %get3A_599, %get3A_600, %get3A_601] {strides = array<i32>} : memref<8x2x8x128xf32, #tpu.memory_space<vmem>>, vector<1x1x1x16xf32>,
        %get3A_603 = vector.shape_cast %get3A_602 : vector<1x1x1x16xf32> to vector<16xf32>
        %get3A_604 = arith.constant 3 : i32
        %get3A_605 = arith.constant 3 : i32
        %get3A_606 = arith.index_cast %get3A_604 : i32 to index
        %get3A_607 = arith.index_cast %select_n3A_107 : i32 to index
        %get3A_608 = arith.index_cast %get3A_605 : i32 to index
        %get3A_609 = arith.index_cast %mul3A_83 : i32 to index
        %get3A_610 = tpu.vector_load %arg9[%get3A_606, %get3A_607, %get3A_608, %get3A_609] {strides = array<i32>} : memref<8x2x8x128xf32, #tpu.memory_space<vmem>>, vector<1x1x1x16xf32>,
        %get3A_611 = vector.shape_cast %get3A_610 : vector<1x1x1x16xf32> to vector<16xf32>
        %mul3A_612 = arith.mulf %get3A_603, %get3A_611 : vector<16xf32>
        %add3A_613 = arith.addf %add3A_595, %mul3A_612 : vector<16xf32>
        %get3A_614 = arith.constant 3 : i32
        %get3A_615 = arith.constant 4 : i32
        %get3A_616 = arith.index_cast %get3A_614 : i32 to index
        %get3A_617 = arith.index_cast %select_n3A_107 : i32 to index
        %get3A_618 = arith.index_cast %get3A_615 : i32 to index
        %get3A_619 = arith.index_cast %mul3A_83 : i32 to index
        %get3A_620 = tpu.vector_load %arg8[%get3A_616, %get3A_617, %get3A_618, %get3A_619] {strides = array<i32>} : memref<8x2x8x128xf32, #tpu.memory_space<vmem>>, vector<1x1x1x16xf32>,
        %get3A_621 = vector.shape_cast %get3A_620 : vector<1x1x1x16xf32> to vector<16xf32>
        %get3A_622 = arith.constant 3 : i32
        %get3A_623 = arith.constant 4 : i32
        %get3A_624 = arith.index_cast %get3A_622 : i32 to index
        %get3A_625 = arith.index_cast %select_n3A_107 : i32 to index
        %get3A_626 = arith.index_cast %get3A_623 : i32 to index
        %get3A_627 = arith.index_cast %mul3A_83 : i32 to index
        %get3A_628 = tpu.vector_load %arg9[%get3A_624, %get3A_625, %get3A_626, %get3A_627] {strides = array<i32>} : memref<8x2x8x128xf32, #tpu.memory_space<vmem>>, vector<1x1x1x16xf32>,
        %get3A_629 = vector.shape_cast %get3A_628 : vector<1x1x1x16xf32> to vector<16xf32>
        %mul3A_630 = arith.mulf %get3A_621, %get3A_629 : vector<16xf32>
        %add3A_631 = arith.addf %add3A_613, %mul3A_630 : vector<16xf32>
        %get3A_632 = arith.constant 3 : i32
        %get3A_633 = arith.constant 5 : i32
        %get3A_634 = arith.index_cast %get3A_632 : i32 to index
        %get3A_635 = arith.index_cast %select_n3A_107 : i32 to index
        %get3A_636 = arith.index_cast %get3A_633 : i32 to index
        %get3A_637 = arith.index_cast %mul3A_83 : i32 to index
        %get3A_638 = tpu.vector_load %arg8[%get3A_634, %get3A_635, %get3A_636, %get3A_637] {strides = array<i32>} : memref<8x2x8x128xf32, #tpu.memory_space<vmem>>, vector<1x1x1x16xf32>,
        %get3A_639 = vector.shape_cast %get3A_638 : vector<1x1x1x16xf32> to vector<16xf32>
        %get3A_640 = arith.constant 3 : i32
        %get3A_641 = arith.constant 5 : i32
        %get3A_642 = arith.index_cast %get3A_640 : i32 to index
        %get3A_643 = arith.index_cast %select_n3A_107 : i32 to index
        %get3A_644 = arith.index_cast %get3A_641 : i32 to index
        %get3A_645 = arith.index_cast %mul3A_83 : i32 to index
        %get3A_646 = tpu.vector_load %arg9[%get3A_642, %get3A_643, %get3A_644, %get3A_645] {strides = array<i32>} : memref<8x2x8x128xf32, #tpu.memory_space<vmem>>, vector<1x1x1x16xf32>,
        %get3A_647 = vector.shape_cast %get3A_646 : vector<1x1x1x16xf32> to vector<16xf32>
        %mul3A_648 = arith.mulf %get3A_639, %get3A_647 : vector<16xf32>
        %add3A_649 = arith.addf %add3A_631, %mul3A_648 : vector<16xf32>
        %get3A_650 = arith.constant 3 : i32
        %get3A_651 = arith.constant 6 : i32
        %get3A_652 = arith.index_cast %get3A_650 : i32 to index
        %get3A_653 = arith.index_cast %select_n3A_107 : i32 to index
        %get3A_654 = arith.index_cast %get3A_651 : i32 to index
        %get3A_655 = arith.index_cast %mul3A_83 : i32 to index
        %get3A_656 = tpu.vector_load %arg8[%get3A_652, %get3A_653, %get3A_654, %get3A_655] {strides = array<i32>} : memref<8x2x8x128xf32, #tpu.memory_space<vmem>>, vector<1x1x1x16xf32>,
        %get3A_657 = vector.shape_cast %get3A_656 : vector<1x1x1x16xf32> to vector<16xf32>
        %get3A_658 = arith.constant 3 : i32
        %get3A_659 = arith.constant 6 : i32
        %get3A_660 = arith.index_cast %get3A_658 : i32 to index
        %get3A_661 = arith.index_cast %select_n3A_107 : i32 to index
        %get3A_662 = arith.index_cast %get3A_659 : i32 to index
        %get3A_663 = arith.index_cast %mul3A_83 : i32 to index
        %get3A_664 = tpu.vector_load %arg9[%get3A_660, %get3A_661, %get3A_662, %get3A_663] {strides = array<i32>} : memref<8x2x8x128xf32, #tpu.memory_space<vmem>>, vector<1x1x1x16xf32>,
        %get3A_665 = vector.shape_cast %get3A_664 : vector<1x1x1x16xf32> to vector<16xf32>
        %mul3A_666 = arith.mulf %get3A_657, %get3A_665 : vector<16xf32>
        %add3A_667 = arith.addf %add3A_649, %mul3A_666 : vector<16xf32>
        %get3A_668 = arith.constant 3 : i32
        %get3A_669 = arith.constant 7 : i32
        %get3A_670 = arith.index_cast %get3A_668 : i32 to index
        %get3A_671 = arith.index_cast %select_n3A_107 : i32 to index
        %get3A_672 = arith.index_cast %get3A_669 : i32 to index
        %get3A_673 = arith.index_cast %mul3A_83 : i32 to index
        %get3A_674 = tpu.vector_load %arg8[%get3A_670, %get3A_671, %get3A_672, %get3A_673] {strides = array<i32>} : memref<8x2x8x128xf32, #tpu.memory_space<vmem>>, vector<1x1x1x16xf32>,
        %get3A_675 = vector.shape_cast %get3A_674 : vector<1x1x1x16xf32> to vector<16xf32>
        %get3A_676 = arith.constant 3 : i32
        %get3A_677 = arith.constant 7 : i32
        %get3A_678 = arith.index_cast %get3A_676 : i32 to index
        %get3A_679 = arith.index_cast %select_n3A_107 : i32 to index
        %get3A_680 = arith.index_cast %get3A_677 : i32 to index
        %get3A_681 = arith.index_cast %mul3A_83 : i32 to index
        %get3A_682 = tpu.vector_load %arg9[%get3A_678, %get3A_679, %get3A_680, %get3A_681] {strides = array<i32>} : memref<8x2x8x128xf32, #tpu.memory_space<vmem>>, vector<1x1x1x16xf32>,
        %get3A_683 = vector.shape_cast %get3A_682 : vector<1x1x1x16xf32> to vector<16xf32>
        %mul3A_684 = arith.mulf %get3A_675, %get3A_683 : vector<16xf32>
        %add3A_685 = arith.addf %add3A_667, %mul3A_684 : vector<16xf32>
        %get3A_686 = arith.constant 4 : i32
        %get3A_687 = arith.constant 0 : i32
        %get3A_688 = arith.index_cast %get3A_686 : i32 to index
        %get3A_689 = arith.index_cast %select_n3A_107 : i32 to index
        %get3A_690 = arith.index_cast %get3A_687 : i32 to index
        %get3A_691 = arith.index_cast %mul3A_83 : i32 to index
        %get3A_692 = tpu.vector_load %arg8[%get3A_688, %get3A_689, %get3A_690, %get3A_691] {strides = array<i32>} : memref<8x2x8x128xf32, #tpu.memory_space<vmem>>, vector<1x1x1x16xf32>,
        %get3A_693 = vector.shape_cast %get3A_692 : vector<1x1x1x16xf32> to vector<16xf32>
        %get3A_694 = arith.constant 4 : i32
        %get3A_695 = arith.constant 0 : i32
        %get3A_696 = arith.index_cast %get3A_694 : i32 to index
        %get3A_697 = arith.index_cast %select_n3A_107 : i32 to index
        %get3A_698 = arith.index_cast %get3A_695 : i32 to index
        %get3A_699 = arith.index_cast %mul3A_83 : i32 to index
        %get3A_700 = tpu.vector_load %arg9[%get3A_696, %get3A_697, %get3A_698, %get3A_699] {strides = array<i32>} : memref<8x2x8x128xf32, #tpu.memory_space<vmem>>, vector<1x1x1x16xf32>,
        %get3A_701 = vector.shape_cast %get3A_700 : vector<1x1x1x16xf32> to vector<16xf32>
        %mul3A_702 = arith.mulf %get3A_693, %get3A_701 : vector<16xf32>
        %add3A_703 = arith.addf %add3A_685, %mul3A_702 : vector<16xf32>
        %get3A_704 = arith.constant 4 : i32
        %get3A_705 = arith.constant 1 : i32
        %get3A_706 = arith.index_cast %get3A_704 : i32 to index
        %get3A_707 = arith.index_cast %select_n3A_107 : i32 to index
        %get3A_708 = arith.index_cast %get3A_705 : i32 to index
        %get3A_709 = arith.index_cast %mul3A_83 : i32 to index
        %get3A_710 = tpu.vector_load %arg8[%get3A_706, %get3A_707, %get3A_708, %get3A_709] {strides = array<i32>} : memref<8x2x8x128xf32, #tpu.memory_space<vmem>>, vector<1x1x1x16xf32>,
        %get3A_711 = vector.shape_cast %get3A_710 : vector<1x1x1x16xf32> to vector<16xf32>
        %get3A_712 = arith.constant 4 : i32
        %get3A_713 = arith.constant 1 : i32
        %get3A_714 = arith.index_cast %get3A_712 : i32 to index
        %get3A_715 = arith.index_cast %select_n3A_107 : i32 to index
        %get3A_716 = arith.index_cast %get3A_713 : i32 to index
        %get3A_717 = arith.index_cast %mul3A_83 : i32 to index
        %get3A_718 = tpu.vector_load %arg9[%get3A_714, %get3A_715, %get3A_716, %get3A_717] {strides = array<i32>} : memref<8x2x8x128xf32, #tpu.memory_space<vmem>>, vector<1x1x1x16xf32>,
        %get3A_719 = vector.shape_cast %get3A_718 : vector<1x1x1x16xf32> to vector<16xf32>
        %mul3A_720 = arith.mulf %get3A_711, %get3A_719 : vector<16xf32>
        %add3A_721 = arith.addf %add3A_703, %mul3A_720 : vector<16xf32>
        %get3A_722 = arith.constant 4 : i32
        %get3A_723 = arith.constant 2 : i32
        %get3A_724 = arith.index_cast %get3A_722 : i32 to index
        %get3A_725 = arith.index_cast %select_n3A_107 : i32 to index
        %get3A_726 = arith.index_cast %get3A_723 : i32 to index
        %get3A_727 = arith.index_cast %mul3A_83 : i32 to index
        %get3A_728 = tpu.vector_load %arg8[%get3A_724, %get3A_725, %get3A_726, %get3A_727] {strides = array<i32>} : memref<8x2x8x128xf32, #tpu.memory_space<vmem>>, vector<1x1x1x16xf32>,
        %get3A_729 = vector.shape_cast %get3A_728 : vector<1x1x1x16xf32> to vector<16xf32>
        %get3A_730 = arith.constant 4 : i32
        %get3A_731 = arith.constant 2 : i32
        %get3A_732 = arith.index_cast %get3A_730 : i32 to index
        %get3A_733 = arith.index_cast %select_n3A_107 : i32 to index
        %get3A_734 = arith.index_cast %get3A_731 : i32 to index
        %get3A_735 = arith.index_cast %mul3A_83 : i32 to index
        %get3A_736 = tpu.vector_load %arg9[%get3A_732, %get3A_733, %get3A_734, %get3A_735] {strides = array<i32>} : memref<8x2x8x128xf32, #tpu.memory_space<vmem>>, vector<1x1x1x16xf32>,
        %get3A_737 = vector.shape_cast %get3A_736 : vector<1x1x1x16xf32> to vector<16xf32>
        %mul3A_738 = arith.mulf %get3A_729, %get3A_737 : vector<16xf32>
        %add3A_739 = arith.addf %add3A_721, %mul3A_738 : vector<16xf32>
        %get3A_740 = arith.constant 4 : i32
        %get3A_741 = arith.constant 3 : i32
        %get3A_742 = arith.index_cast %get3A_740 : i32 to index
        %get3A_743 = arith.index_cast %select_n3A_107 : i32 to index
        %get3A_744 = arith.index_cast %get3A_741 : i32 to index
        %get3A_745 = arith.index_cast %mul3A_83 : i32 to index
        %get3A_746 = tpu.vector_load %arg8[%get3A_742, %get3A_743, %get3A_744, %get3A_745] {strides = array<i32>} : memref<8x2x8x128xf32, #tpu.memory_space<vmem>>, vector<1x1x1x16xf32>,
        %get3A_747 = vector.shape_cast %get3A_746 : vector<1x1x1x16xf32> to vector<16xf32>
        %get3A_748 = arith.constant 4 : i32
        %get3A_749 = arith.constant 3 : i32
        %get3A_750 = arith.index_cast %get3A_748 : i32 to index
        %get3A_751 = arith.index_cast %select_n3A_107 : i32 to index
        %get3A_752 = arith.index_cast %get3A_749 : i32 to index
        %get3A_753 = arith.index_cast %mul3A_83 : i32 to index
        %get3A_754 = tpu.vector_load %arg9[%get3A_750, %get3A_751, %get3A_752, %get3A_753] {strides = array<i32>} : memref<8x2x8x128xf32, #tpu.memory_space<vmem>>, vector<1x1x1x16xf32>,
        %get3A_755 = vector.shape_cast %get3A_754 : vector<1x1x1x16xf32> to vector<16xf32>
        %mul3A_756 = arith.mulf %get3A_747, %get3A_755 : vector<16xf32>
        %add3A_757 = arith.addf %add3A_739, %mul3A_756 : vector<16xf32>
        %get3A_758 = arith.constant 4 : i32
        %get3A_759 = arith.constant 4 : i32
        %get3A_760 = arith.index_cast %get3A_758 : i32 to index
        %get3A_761 = arith.index_cast %select_n3A_107 : i32 to index
        %get3A_762 = arith.index_cast %get3A_759 : i32 to index
        %get3A_763 = arith.index_cast %mul3A_83 : i32 to index
        %get3A_764 = tpu.vector_load %arg8[%get3A_760, %get3A_761, %get3A_762, %get3A_763] {strides = array<i32>} : memref<8x2x8x128xf32, #tpu.memory_space<vmem>>, vector<1x1x1x16xf32>,
        %get3A_765 = vector.shape_cast %get3A_764 : vector<1x1x1x16xf32> to vector<16xf32>
        %get3A_766 = arith.constant 4 : i32
        %get3A_767 = arith.constant 4 : i32
        %get3A_768 = arith.index_cast %get3A_766 : i32 to index
        %get3A_769 = arith.index_cast %select_n3A_107 : i32 to index
        %get3A_770 = arith.index_cast %get3A_767 : i32 to index
        %get3A_771 = arith.index_cast %mul3A_83 : i32 to index
        %get3A_772 = tpu.vector_load %arg9[%get3A_768, %get3A_769, %get3A_770, %get3A_771] {strides = array<i32>} : memref<8x2x8x128xf32, #tpu.memory_space<vmem>>, vector<1x1x1x16xf32>,
        %get3A_773 = vector.shape_cast %get3A_772 : vector<1x1x1x16xf32> to vector<16xf32>
        %mul3A_774 = arith.mulf %get3A_765, %get3A_773 : vector<16xf32>
        %add3A_775 = arith.addf %add3A_757, %mul3A_774 : vector<16xf32>
        %get3A_776 = arith.constant 4 : i32
        %get3A_777 = arith.constant 5 : i32
        %get3A_778 = arith.index_cast %get3A_776 : i32 to index
        %get3A_779 = arith.index_cast %select_n3A_107 : i32 to index
        %get3A_780 = arith.index_cast %get3A_777 : i32 to index
        %get3A_781 = arith.index_cast %mul3A_83 : i32 to index
        %get3A_782 = tpu.vector_load %arg8[%get3A_778, %get3A_779, %get3A_780, %get3A_781] {strides = array<i32>} : memref<8x2x8x128xf32, #tpu.memory_space<vmem>>, vector<1x1x1x16xf32>,
        %get3A_783 = vector.shape_cast %get3A_782 : vector<1x1x1x16xf32> to vector<16xf32>
        %get3A_784 = arith.constant 4 : i32
        %get3A_785 = arith.constant 5 : i32
        %get3A_786 = arith.index_cast %get3A_784 : i32 to index
        %get3A_787 = arith.index_cast %select_n3A_107 : i32 to index
        %get3A_788 = arith.index_cast %get3A_785 : i32 to index
        %get3A_789 = arith.index_cast %mul3A_83 : i32 to index
        %get3A_790 = tpu.vector_load %arg9[%get3A_786, %get3A_787, %get3A_788, %get3A_789] {strides = array<i32>} : memref<8x2x8x128xf32, #tpu.memory_space<vmem>>, vector<1x1x1x16xf32>,
        %get3A_791 = vector.shape_cast %get3A_790 : vector<1x1x1x16xf32> to vector<16xf32>
        %mul3A_792 = arith.mulf %get3A_783, %get3A_791 : vector<16xf32>
        %add3A_793 = arith.addf %add3A_775, %mul3A_792 : vector<16xf32>
        %get3A_794 = arith.constant 4 : i32
        %get3A_795 = arith.constant 6 : i32
        %get3A_796 = arith.index_cast %get3A_794 : i32 to index
        %get3A_797 = arith.index_cast %select_n3A_107 : i32 to index
        %get3A_798 = arith.index_cast %get3A_795 : i32 to index
        %get3A_799 = arith.index_cast %mul3A_83 : i32 to index
        %get3A_800 = tpu.vector_load %arg8[%get3A_796, %get3A_797, %get3A_798, %get3A_799] {strides = array<i32>} : memref<8x2x8x128xf32, #tpu.memory_space<vmem>>, vector<1x1x1x16xf32>,
        %get3A_801 = vector.shape_cast %get3A_800 : vector<1x1x1x16xf32> to vector<16xf32>
        %get3A_802 = arith.constant 4 : i32
        %get3A_803 = arith.constant 6 : i32
        %get3A_804 = arith.index_cast %get3A_802 : i32 to index
        %get3A_805 = arith.index_cast %select_n3A_107 : i32 to index
        %get3A_806 = arith.index_cast %get3A_803 : i32 to index
        %get3A_807 = arith.index_cast %mul3A_83 : i32 to index
        %get3A_808 = tpu.vector_load %arg9[%get3A_804, %get3A_805, %get3A_806, %get3A_807] {strides = array<i32>} : memref<8x2x8x128xf32, #tpu.memory_space<vmem>>, vector<1x1x1x16xf32>,
        %get3A_809 = vector.shape_cast %get3A_808 : vector<1x1x1x16xf32> to vector<16xf32>
        %mul3A_810 = arith.mulf %get3A_801, %get3A_809 : vector<16xf32>
        %add3A_811 = arith.addf %add3A_793, %mul3A_810 : vector<16xf32>
        %get3A_812 = arith.constant 4 : i32
        %get3A_813 = arith.constant 7 : i32
        %get3A_814 = arith.index_cast %get3A_812 : i32 to index
        %get3A_815 = arith.index_cast %select_n3A_107 : i32 to index
        %get3A_816 = arith.index_cast %get3A_813 : i32 to index
        %get3A_817 = arith.index_cast %mul3A_83 : i32 to index
        %get3A_818 = tpu.vector_load %arg8[%get3A_814, %get3A_815, %get3A_816, %get3A_817] {strides = array<i32>} : memref<8x2x8x128xf32, #tpu.memory_space<vmem>>, vector<1x1x1x16xf32>,
        %get3A_819 = vector.shape_cast %get3A_818 : vector<1x1x1x16xf32> to vector<16xf32>
        %get3A_820 = arith.constant 4 : i32
        %get3A_821 = arith.constant 7 : i32
        %get3A_822 = arith.index_cast %get3A_820 : i32 to index
        %get3A_823 = arith.index_cast %select_n3A_107 : i32 to index
        %get3A_824 = arith.index_cast %get3A_821 : i32 to index
        %get3A_825 = arith.index_cast %mul3A_83 : i32 to index
        %get3A_826 = tpu.vector_load %arg9[%get3A_822, %get3A_823, %get3A_824, %get3A_825] {strides = array<i32>} : memref<8x2x8x128xf32, #tpu.memory_space<vmem>>, vector<1x1x1x16xf32>,
        %get3A_827 = vector.shape_cast %get3A_826 : vector<1x1x1x16xf32> to vector<16xf32>
        %mul3A_828 = arith.mulf %get3A_819, %get3A_827 : vector<16xf32>
        %add3A_829 = arith.addf %add3A_811, %mul3A_828 : vector<16xf32>
        %get3A_830 = arith.constant 5 : i32
        %get3A_831 = arith.constant 0 : i32
        %get3A_832 = arith.index_cast %get3A_830 : i32 to index
        %get3A_833 = arith.index_cast %select_n3A_107 : i32 to index
        %get3A_834 = arith.index_cast %get3A_831 : i32 to index
        %get3A_835 = arith.index_cast %mul3A_83 : i32 to index
        %get3A_836 = tpu.vector_load %arg8[%get3A_832, %get3A_833, %get3A_834, %get3A_835] {strides = array<i32>} : memref<8x2x8x128xf32, #tpu.memory_space<vmem>>, vector<1x1x1x16xf32>,
        %get3A_837 = vector.shape_cast %get3A_836 : vector<1x1x1x16xf32> to vector<16xf32>
        %get3A_838 = arith.constant 5 : i32
        %get3A_839 = arith.constant 0 : i32
        %get3A_840 = arith.index_cast %get3A_838 : i32 to index
        %get3A_841 = arith.index_cast %select_n3A_107 : i32 to index
        %get3A_842 = arith.index_cast %get3A_839 : i32 to index
        %get3A_843 = arith.index_cast %mul3A_83 : i32 to index
        %get3A_844 = tpu.vector_load %arg9[%get3A_840, %get3A_841, %get3A_842, %get3A_843] {strides = array<i32>} : memref<8x2x8x128xf32, #tpu.memory_space<vmem>>, vector<1x1x1x16xf32>,
        %get3A_845 = vector.shape_cast %get3A_844 : vector<1x1x1x16xf32> to vector<16xf32>
        %mul3A_846 = arith.mulf %get3A_837, %get3A_845 : vector<16xf32>
        %add3A_847 = arith.addf %add3A_829, %mul3A_846 : vector<16xf32>
        %get3A_848 = arith.constant 5 : i32
        %get3A_849 = arith.constant 1 : i32
        %get3A_850 = arith.index_cast %get3A_848 : i32 to index
        %get3A_851 = arith.index_cast %select_n3A_107 : i32 to index
        %get3A_852 = arith.index_cast %get3A_849 : i32 to index
        %get3A_853 = arith.index_cast %mul3A_83 : i32 to index
        %get3A_854 = tpu.vector_load %arg8[%get3A_850, %get3A_851, %get3A_852, %get3A_853] {strides = array<i32>} : memref<8x2x8x128xf32, #tpu.memory_space<vmem>>, vector<1x1x1x16xf32>,
        %get3A_855 = vector.shape_cast %get3A_854 : vector<1x1x1x16xf32> to vector<16xf32>
        %get3A_856 = arith.constant 5 : i32
        %get3A_857 = arith.constant 1 : i32
        %get3A_858 = arith.index_cast %get3A_856 : i32 to index
        %get3A_859 = arith.index_cast %select_n3A_107 : i32 to index
        %get3A_860 = arith.index_cast %get3A_857 : i32 to index
        %get3A_861 = arith.index_cast %mul3A_83 : i32 to index
        %get3A_862 = tpu.vector_load %arg9[%get3A_858, %get3A_859, %get3A_860, %get3A_861] {strides = array<i32>} : memref<8x2x8x128xf32, #tpu.memory_space<vmem>>, vector<1x1x1x16xf32>,
        %get3A_863 = vector.shape_cast %get3A_862 : vector<1x1x1x16xf32> to vector<16xf32>
        %mul3A_864 = arith.mulf %get3A_855, %get3A_863 : vector<16xf32>
        %add3A_865 = arith.addf %add3A_847, %mul3A_864 : vector<16xf32>
        %get3A_866 = arith.constant 5 : i32
        %get3A_867 = arith.constant 2 : i32
        %get3A_868 = arith.index_cast %get3A_866 : i32 to index
        %get3A_869 = arith.index_cast %select_n3A_107 : i32 to index
        %get3A_870 = arith.index_cast %get3A_867 : i32 to index
        %get3A_871 = arith.index_cast %mul3A_83 : i32 to index
        %get3A_872 = tpu.vector_load %arg8[%get3A_868, %get3A_869, %get3A_870, %get3A_871] {strides = array<i32>} : memref<8x2x8x128xf32, #tpu.memory_space<vmem>>, vector<1x1x1x16xf32>,
        %get3A_873 = vector.shape_cast %get3A_872 : vector<1x1x1x16xf32> to vector<16xf32>
        %get3A_874 = arith.constant 5 : i32
        %get3A_875 = arith.constant 2 : i32
        %get3A_876 = arith.index_cast %get3A_874 : i32 to index
        %get3A_877 = arith.index_cast %select_n3A_107 : i32 to index
        %get3A_878 = arith.index_cast %get3A_875 : i32 to index
        %get3A_879 = arith.index_cast %mul3A_83 : i32 to index
        %get3A_880 = tpu.vector_load %arg9[%get3A_876, %get3A_877, %get3A_878, %get3A_879] {strides = array<i32>} : memref<8x2x8x128xf32, #tpu.memory_space<vmem>>, vector<1x1x1x16xf32>,
        %get3A_881 = vector.shape_cast %get3A_880 : vector<1x1x1x16xf32> to vector<16xf32>
        %mul3A_882 = arith.mulf %get3A_873, %get3A_881 : vector<16xf32>
        %add3A_883 = arith.addf %add3A_865, %mul3A_882 : vector<16xf32>
        %get3A_884 = arith.constant 5 : i32
        %get3A_885 = arith.constant 3 : i32
        %get3A_886 = arith.index_cast %get3A_884 : i32 to index
        %get3A_887 = arith.index_cast %select_n3A_107 : i32 to index
        %get3A_888 = arith.index_cast %get3A_885 : i32 to index
        %get3A_889 = arith.index_cast %mul3A_83 : i32 to index
        %get3A_890 = tpu.vector_load %arg8[%get3A_886, %get3A_887, %get3A_888, %get3A_889] {strides = array<i32>} : memref<8x2x8x128xf32, #tpu.memory_space<vmem>>, vector<1x1x1x16xf32>,
        %get3A_891 = vector.shape_cast %get3A_890 : vector<1x1x1x16xf32> to vector<16xf32>
        %get3A_892 = arith.constant 5 : i32
        %get3A_893 = arith.constant 3 : i32
        %get3A_894 = arith.index_cast %get3A_892 : i32 to index
        %get3A_895 = arith.index_cast %select_n3A_107 : i32 to index
        %get3A_896 = arith.index_cast %get3A_893 : i32 to index
        %get3A_897 = arith.index_cast %mul3A_83 : i32 to index
        %get3A_898 = tpu.vector_load %arg9[%get3A_894, %get3A_895, %get3A_896, %get3A_897] {strides = array<i32>} : memref<8x2x8x128xf32, #tpu.memory_space<vmem>>, vector<1x1x1x16xf32>,
        %get3A_899 = vector.shape_cast %get3A_898 : vector<1x1x1x16xf32> to vector<16xf32>
        %mul3A_900 = arith.mulf %get3A_891, %get3A_899 : vector<16xf32>
        %add3A_901 = arith.addf %add3A_883, %mul3A_900 : vector<16xf32>
        %get3A_902 = arith.constant 5 : i32
        %get3A_903 = arith.constant 4 : i32
        %get3A_904 = arith.index_cast %get3A_902 : i32 to index
        %get3A_905 = arith.index_cast %select_n3A_107 : i32 to index
        %get3A_906 = arith.index_cast %get3A_903 : i32 to index
        %get3A_907 = arith.index_cast %mul3A_83 : i32 to index
        %get3A_908 = tpu.vector_load %arg8[%get3A_904, %get3A_905, %get3A_906, %get3A_907] {strides = array<i32>} : memref<8x2x8x128xf32, #tpu.memory_space<vmem>>, vector<1x1x1x16xf32>,
        %get3A_909 = vector.shape_cast %get3A_908 : vector<1x1x1x16xf32> to vector<16xf32>
        %get3A_910 = arith.constant 5 : i32
        %get3A_911 = arith.constant 4 : i32
        %get3A_912 = arith.index_cast %get3A_910 : i32 to index
        %get3A_913 = arith.index_cast %select_n3A_107 : i32 to index
        %get3A_914 = arith.index_cast %get3A_911 : i32 to index
        %get3A_915 = arith.index_cast %mul3A_83 : i32 to index
        %get3A_916 = tpu.vector_load %arg9[%get3A_912, %get3A_913, %get3A_914, %get3A_915] {strides = array<i32>} : memref<8x2x8x128xf32, #tpu.memory_space<vmem>>, vector<1x1x1x16xf32>,
        %get3A_917 = vector.shape_cast %get3A_916 : vector<1x1x1x16xf32> to vector<16xf32>
        %mul3A_918 = arith.mulf %get3A_909, %get3A_917 : vector<16xf32>
        %add3A_919 = arith.addf %add3A_901, %mul3A_918 : vector<16xf32>
        %get3A_920 = arith.constant 5 : i32
        %get3A_921 = arith.constant 5 : i32
        %get3A_922 = arith.index_cast %get3A_920 : i32 to index
        %get3A_923 = arith.index_cast %select_n3A_107 : i32 to index
        %get3A_924 = arith.index_cast %get3A_921 : i32 to index
        %get3A_925 = arith.index_cast %mul3A_83 : i32 to index
        %get3A_926 = tpu.vector_load %arg8[%get3A_922, %get3A_923, %get3A_924, %get3A_925] {strides = array<i32>} : memref<8x2x8x128xf32, #tpu.memory_space<vmem>>, vector<1x1x1x16xf32>,
        %get3A_927 = vector.shape_cast %get3A_926 : vector<1x1x1x16xf32> to vector<16xf32>
        %get3A_928 = arith.constant 5 : i32
        %get3A_929 = arith.constant 5 : i32
        %get3A_930 = arith.index_cast %get3A_928 : i32 to index
        %get3A_931 = arith.index_cast %select_n3A_107 : i32 to index
        %get3A_932 = arith.index_cast %get3A_929 : i32 to index
        %get3A_933 = arith.index_cast %mul3A_83 : i32 to index
        %get3A_934 = tpu.vector_load %arg9[%get3A_930, %get3A_931, %get3A_932, %get3A_933] {strides = array<i32>} : memref<8x2x8x128xf32, #tpu.memory_space<vmem>>, vector<1x1x1x16xf32>,
        %get3A_935 = vector.shape_cast %get3A_934 : vector<1x1x1x16xf32> to vector<16xf32>
        %mul3A_936 = arith.mulf %get3A_927, %get3A_935 : vector<16xf32>
        %add3A_937 = arith.addf %add3A_919, %mul3A_936 : vector<16xf32>
        %get3A_938 = arith.constant 5 : i32
        %get3A_939 = arith.constant 6 : i32
        %get3A_940 = arith.index_cast %get3A_938 : i32 to index
        %get3A_941 = arith.index_cast %select_n3A_107 : i32 to index
        %get3A_942 = arith.index_cast %get3A_939 : i32 to index
        %get3A_943 = arith.index_cast %mul3A_83 : i32 to index
        %get3A_944 = tpu.vector_load %arg8[%get3A_940, %get3A_941, %get3A_942, %get3A_943] {strides = array<i32>} : memref<8x2x8x128xf32, #tpu.memory_space<vmem>>, vector<1x1x1x16xf32>,
        %get3A_945 = vector.shape_cast %get3A_944 : vector<1x1x1x16xf32> to vector<16xf32>
        %get3A_946 = arith.constant 5 : i32
        %get3A_947 = arith.constant 6 : i32
        %get3A_948 = arith.index_cast %get3A_946 : i32 to index
        %get3A_949 = arith.index_cast %select_n3A_107 : i32 to index
        %get3A_950 = arith.index_cast %get3A_947 : i32 to index
        %get3A_951 = arith.index_cast %mul3A_83 : i32 to index
        %get3A_952 = tpu.vector_load %arg9[%get3A_948, %get3A_949, %get3A_950, %get3A_951] {strides = array<i32>} : memref<8x2x8x128xf32, #tpu.memory_space<vmem>>, vector<1x1x1x16xf32>,
        %get3A_953 = vector.shape_cast %get3A_952 : vector<1x1x1x16xf32> to vector<16xf32>
        %mul3A_954 = arith.mulf %get3A_945, %get3A_953 : vector<16xf32>
        %add3A_955 = arith.addf %add3A_937, %mul3A_954 : vector<16xf32>
        %get3A_956 = arith.constant 5 : i32
        %get3A_957 = arith.constant 7 : i32
        %get3A_958 = arith.index_cast %get3A_956 : i32 to index
        %get3A_959 = arith.index_cast %select_n3A_107 : i32 to index
        %get3A_960 = arith.index_cast %get3A_957 : i32 to index
        %get3A_961 = arith.index_cast %mul3A_83 : i32 to index
        %get3A_962 = tpu.vector_load %arg8[%get3A_958, %get3A_959, %get3A_960, %get3A_961] {strides = array<i32>} : memref<8x2x8x128xf32, #tpu.memory_space<vmem>>, vector<1x1x1x16xf32>,
        %get3A_963 = vector.shape_cast %get3A_962 : vector<1x1x1x16xf32> to vector<16xf32>
        %get3A_964 = arith.constant 5 : i32
        %get3A_965 = arith.constant 7 : i32
        %get3A_966 = arith.index_cast %get3A_964 : i32 to index
        %get3A_967 = arith.index_cast %select_n3A_107 : i32 to index
        %get3A_968 = arith.index_cast %get3A_965 : i32 to index
        %get3A_969 = arith.index_cast %mul3A_83 : i32 to index
        %get3A_970 = tpu.vector_load %arg9[%get3A_966, %get3A_967, %get3A_968, %get3A_969] {strides = array<i32>} : memref<8x2x8x128xf32, #tpu.memory_space<vmem>>, vector<1x1x1x16xf32>,
        %get3A_971 = vector.shape_cast %get3A_970 : vector<1x1x1x16xf32> to vector<16xf32>
        %mul3A_972 = arith.mulf %get3A_963, %get3A_971 : vector<16xf32>
        %add3A_973 = arith.addf %add3A_955, %mul3A_972 : vector<16xf32>
        %get3A_974 = arith.constant 6 : i32
        %get3A_975 = arith.constant 0 : i32
        %get3A_976 = arith.index_cast %get3A_974 : i32 to index
        %get3A_977 = arith.index_cast %select_n3A_107 : i32 to index
        %get3A_978 = arith.index_cast %get3A_975 : i32 to index
        %get3A_979 = arith.index_cast %mul3A_83 : i32 to index
        %get3A_980 = tpu.vector_load %arg8[%get3A_976, %get3A_977, %get3A_978, %get3A_979] {strides = array<i32>} : memref<8x2x8x128xf32, #tpu.memory_space<vmem>>, vector<1x1x1x16xf32>,
        %get3A_981 = vector.shape_cast %get3A_980 : vector<1x1x1x16xf32> to vector<16xf32>
        %get3A_982 = arith.constant 6 : i32
        %get3A_983 = arith.constant 0 : i32
        %get3A_984 = arith.index_cast %get3A_982 : i32 to index
        %get3A_985 = arith.index_cast %select_n3A_107 : i32 to index
        %get3A_986 = arith.index_cast %get3A_983 : i32 to index
        %get3A_987 = arith.index_cast %mul3A_83 : i32 to index
        %get3A_988 = tpu.vector_load %arg9[%get3A_984, %get3A_985, %get3A_986, %get3A_987] {strides = array<i32>} : memref<8x2x8x128xf32, #tpu.memory_space<vmem>>, vector<1x1x1x16xf32>,
        %get3A_989 = vector.shape_cast %get3A_988 : vector<1x1x1x16xf32> to vector<16xf32>
        %mul3A_990 = arith.mulf %get3A_981, %get3A_989 : vector<16xf32>
        %add3A_991 = arith.addf %add3A_973, %mul3A_990 : vector<16xf32>
        %get3A_992 = arith.constant 6 : i32
        %get3A_993 = arith.constant 1 : i32
        %get3A_994 = arith.index_cast %get3A_992 : i32 to index
        %get3A_995 = arith.index_cast %select_n3A_107 : i32 to index
        %get3A_996 = arith.index_cast %get3A_993 : i32 to index
        %get3A_997 = arith.index_cast %mul3A_83 : i32 to index
        %get3A_998 = tpu.vector_load %arg8[%get3A_994, %get3A_995, %get3A_996, %get3A_997] {strides = array<i32>} : memref<8x2x8x128xf32, #tpu.memory_space<vmem>>, vector<1x1x1x16xf32>,
        %get3A_999 = vector.shape_cast %get3A_998 : vector<1x1x1x16xf32> to vector<16xf32>
        %get3A_1000 = arith.constant 6 : i32
        %get3A_1001 = arith.constant 1 : i32
        %get3A_1002 = arith.index_cast %get3A_1000 : i32 to index
        %get3A_1003 = arith.index_cast %select_n3A_107 : i32 to index
        %get3A_1004 = arith.index_cast %get3A_1001 : i32 to index
        %get3A_1005 = arith.index_cast %mul3A_83 : i32 to index
        %get3A_1006 = tpu.vector_load %arg9[%get3A_1002, %get3A_1003, %get3A_1004, %get3A_1005] {strides = array<i32>} : memref<8x2x8x128xf32, #tpu.memory_space<vmem>>, vector<1x1x1x16xf32>,
        %get3A_1007 = vector.shape_cast %get3A_1006 : vector<1x1x1x16xf32> to vector<16xf32>
        %mul3A_1008 = arith.mulf %get3A_999, %get3A_1007 : vector<16xf32>
        %add3A_1009 = arith.addf %add3A_991, %mul3A_1008 : vector<16xf32>
        %get3A_1010 = arith.constant 6 : i32
        %get3A_1011 = arith.constant 2 : i32
        %get3A_1012 = arith.index_cast %get3A_1010 : i32 to index
        %get3A_1013 = arith.index_cast %select_n3A_107 : i32 to index
        %get3A_1014 = arith.index_cast %get3A_1011 : i32 to index
        %get3A_1015 = arith.index_cast %mul3A_83 : i32 to index
        %get3A_1016 = tpu.vector_load %arg8[%get3A_1012, %get3A_1013, %get3A_1014, %get3A_1015] {strides = array<i32>} : memref<8x2x8x128xf32, #tpu.memory_space<vmem>>, vector<1x1x1x16xf32>,
        %get3A_1017 = vector.shape_cast %get3A_1016 : vector<1x1x1x16xf32> to vector<16xf32>
        %get3A_1018 = arith.constant 6 : i32
        %get3A_1019 = arith.constant 2 : i32
        %get3A_1020 = arith.index_cast %get3A_1018 : i32 to index
        %get3A_1021 = arith.index_cast %select_n3A_107 : i32 to index
        %get3A_1022 = arith.index_cast %get3A_1019 : i32 to index
        %get3A_1023 = arith.index_cast %mul3A_83 : i32 to index
        %get3A_1024 = tpu.vector_load %arg9[%get3A_1020, %get3A_1021, %get3A_1022, %get3A_1023] {strides = array<i32>} : memref<8x2x8x128xf32, #tpu.memory_space<vmem>>, vector<1x1x1x16xf32>,
        %get3A_1025 = vector.shape_cast %get3A_1024 : vector<1x1x1x16xf32> to vector<16xf32>
        %mul3A_1026 = arith.mulf %get3A_1017, %get3A_1025 : vector<16xf32>
        %add3A_1027 = arith.addf %add3A_1009, %mul3A_1026 : vector<16xf32>
        %get3A_1028 = arith.constant 6 : i32
        %get3A_1029 = arith.constant 3 : i32
        %get3A_1030 = arith.index_cast %get3A_1028 : i32 to index
        %get3A_1031 = arith.index_cast %select_n3A_107 : i32 to index
        %get3A_1032 = arith.index_cast %get3A_1029 : i32 to index
        %get3A_1033 = arith.index_cast %mul3A_83 : i32 to index
        %get3A_1034 = tpu.vector_load %arg8[%get3A_1030, %get3A_1031, %get3A_1032, %get3A_1033] {strides = array<i32>} : memref<8x2x8x128xf32, #tpu.memory_space<vmem>>, vector<1x1x1x16xf32>,
        %get3A_1035 = vector.shape_cast %get3A_1034 : vector<1x1x1x16xf32> to vector<16xf32>
        %get3A_1036 = arith.constant 6 : i32
        %get3A_1037 = arith.constant 3 : i32
        %get3A_1038 = arith.index_cast %get3A_1036 : i32 to index
        %get3A_1039 = arith.index_cast %select_n3A_107 : i32 to index
        %get3A_1040 = arith.index_cast %get3A_1037 : i32 to index
        %get3A_1041 = arith.index_cast %mul3A_83 : i32 to index
        %get3A_1042 = tpu.vector_load %arg9[%get3A_1038, %get3A_1039, %get3A_1040, %get3A_1041] {strides = array<i32>} : memref<8x2x8x128xf32, #tpu.memory_space<vmem>>, vector<1x1x1x16xf32>,
        %get3A_1043 = vector.shape_cast %get3A_1042 : vector<1x1x1x16xf32> to vector<16xf32>
        %mul3A_1044 = arith.mulf %get3A_1035, %get3A_1043 : vector<16xf32>
        %add3A_1045 = arith.addf %add3A_1027, %mul3A_1044 : vector<16xf32>
        %get3A_1046 = arith.constant 6 : i32
        %get3A_1047 = arith.constant 4 : i32
        %get3A_1048 = arith.index_cast %get3A_1046 : i32 to index
        %get3A_1049 = arith.index_cast %select_n3A_107 : i32 to index
        %get3A_1050 = arith.index_cast %get3A_1047 : i32 to index
        %get3A_1051 = arith.index_cast %mul3A_83 : i32 to index
        %get3A_1052 = tpu.vector_load %arg8[%get3A_1048, %get3A_1049, %get3A_1050, %get3A_1051] {strides = array<i32>} : memref<8x2x8x128xf32, #tpu.memory_space<vmem>>, vector<1x1x1x16xf32>,
        %get3A_1053 = vector.shape_cast %get3A_1052 : vector<1x1x1x16xf32> to vector<16xf32>
        %get3A_1054 = arith.constant 6 : i32
        %get3A_1055 = arith.constant 4 : i32
        %get3A_1056 = arith.index_cast %get3A_1054 : i32 to index
        %get3A_1057 = arith.index_cast %select_n3A_107 : i32 to index
        %get3A_1058 = arith.index_cast %get3A_1055 : i32 to index
        %get3A_1059 = arith.index_cast %mul3A_83 : i32 to index
        %get3A_1060 = tpu.vector_load %arg9[%get3A_1056, %get3A_1057, %get3A_1058, %get3A_1059] {strides = array<i32>} : memref<8x2x8x128xf32, #tpu.memory_space<vmem>>, vector<1x1x1x16xf32>,
        %get3A_1061 = vector.shape_cast %get3A_1060 : vector<1x1x1x16xf32> to vector<16xf32>
        %mul3A_1062 = arith.mulf %get3A_1053, %get3A_1061 : vector<16xf32>
        %add3A_1063 = arith.addf %add3A_1045, %mul3A_1062 : vector<16xf32>
        %get3A_1064 = arith.constant 6 : i32
        %get3A_1065 = arith.constant 5 : i32
        %get3A_1066 = arith.index_cast %get3A_1064 : i32 to index
        %get3A_1067 = arith.index_cast %select_n3A_107 : i32 to index
        %get3A_1068 = arith.index_cast %get3A_1065 : i32 to index
        %get3A_1069 = arith.index_cast %mul3A_83 : i32 to index
        %get3A_1070 = tpu.vector_load %arg8[%get3A_1066, %get3A_1067, %get3A_1068, %get3A_1069] {strides = array<i32>} : memref<8x2x8x128xf32, #tpu.memory_space<vmem>>, vector<1x1x1x16xf32>,
        %get3A_1071 = vector.shape_cast %get3A_1070 : vector<1x1x1x16xf32> to vector<16xf32>
        %get3A_1072 = arith.constant 6 : i32
        %get3A_1073 = arith.constant 5 : i32
        %get3A_1074 = arith.index_cast %get3A_1072 : i32 to index
        %get3A_1075 = arith.index_cast %select_n3A_107 : i32 to index
        %get3A_1076 = arith.index_cast %get3A_1073 : i32 to index
        %get3A_1077 = arith.index_cast %mul3A_83 : i32 to index
        %get3A_1078 = tpu.vector_load %arg9[%get3A_1074, %get3A_1075, %get3A_1076, %get3A_1077] {strides = array<i32>} : memref<8x2x8x128xf32, #tpu.memory_space<vmem>>, vector<1x1x1x16xf32>,
        %get3A_1079 = vector.shape_cast %get3A_1078 : vector<1x1x1x16xf32> to vector<16xf32>
        %mul3A_1080 = arith.mulf %get3A_1071, %get3A_1079 : vector<16xf32>
        %add3A_1081 = arith.addf %add3A_1063, %mul3A_1080 : vector<16xf32>
        %get3A_1082 = arith.constant 6 : i32
        %get3A_1083 = arith.constant 6 : i32
        %get3A_1084 = arith.index_cast %get3A_1082 : i32 to index
        %get3A_1085 = arith.index_cast %select_n3A_107 : i32 to index
        %get3A_1086 = arith.index_cast %get3A_1083 : i32 to index
        %get3A_1087 = arith.index_cast %mul3A_83 : i32 to index
        %get3A_1088 = tpu.vector_load %arg8[%get3A_1084, %get3A_1085, %get3A_1086, %get3A_1087] {strides = array<i32>} : memref<8x2x8x128xf32, #tpu.memory_space<vmem>>, vector<1x1x1x16xf32>,
        %get3A_1089 = vector.shape_cast %get3A_1088 : vector<1x1x1x16xf32> to vector<16xf32>
        %get3A_1090 = arith.constant 6 : i32
        %get3A_1091 = arith.constant 6 : i32
        %get3A_1092 = arith.index_cast %get3A_1090 : i32 to index
        %get3A_1093 = arith.index_cast %select_n3A_107 : i32 to index
        %get3A_1094 = arith.index_cast %get3A_1091 : i32 to index
        %get3A_1095 = arith.index_cast %mul3A_83 : i32 to index
        %get3A_1096 = tpu.vector_load %arg9[%get3A_1092, %get3A_1093, %get3A_1094, %get3A_1095] {strides = array<i32>} : memref<8x2x8x128xf32, #tpu.memory_space<vmem>>, vector<1x1x1x16xf32>,
        %get3A_1097 = vector.shape_cast %get3A_1096 : vector<1x1x1x16xf32> to vector<16xf32>
        %mul3A_1098 = arith.mulf %get3A_1089, %get3A_1097 : vector<16xf32>
        %add3A_1099 = arith.addf %add3A_1081, %mul3A_1098 : vector<16xf32>
        %get3A_1100 = arith.constant 6 : i32
        %get3A_1101 = arith.constant 7 : i32
        %get3A_1102 = arith.index_cast %get3A_1100 : i32 to index
        %get3A_1103 = arith.index_cast %select_n3A_107 : i32 to index
        %get3A_1104 = arith.index_cast %get3A_1101 : i32 to index
        %get3A_1105 = arith.index_cast %mul3A_83 : i32 to index
        %get3A_1106 = tpu.vector_load %arg8[%get3A_1102, %get3A_1103, %get3A_1104, %get3A_1105] {strides = array<i32>} : memref<8x2x8x128xf32, #tpu.memory_space<vmem>>, vector<1x1x1x16xf32>,
        %get3A_1107 = vector.shape_cast %get3A_1106 : vector<1x1x1x16xf32> to vector<16xf32>
        %get3A_1108 = arith.constant 6 : i32
        %get3A_1109 = arith.constant 7 : i32
        %get3A_1110 = arith.index_cast %get3A_1108 : i32 to index
        %get3A_1111 = arith.index_cast %select_n3A_107 : i32 to index
        %get3A_1112 = arith.index_cast %get3A_1109 : i32 to index
        %get3A_1113 = arith.index_cast %mul3A_83 : i32 to index
        %get3A_1114 = tpu.vector_load %arg9[%get3A_1110, %get3A_1111, %get3A_1112, %get3A_1113] {strides = array<i32>} : memref<8x2x8x128xf32, #tpu.memory_space<vmem>>, vector<1x1x1x16xf32>,
        %get3A_1115 = vector.shape_cast %get3A_1114 : vector<1x1x1x16xf32> to vector<16xf32>
        %mul3A_1116 = arith.mulf %get3A_1107, %get3A_1115 : vector<16xf32>
        %add3A_1117 = arith.addf %add3A_1099, %mul3A_1116 : vector<16xf32>
        %get3A_1118 = arith.constant 7 : i32
        %get3A_1119 = arith.constant 0 : i32
        %get3A_1120 = arith.index_cast %get3A_1118 : i32 to index
        %get3A_1121 = arith.index_cast %select_n3A_107 : i32 to index
        %get3A_1122 = arith.index_cast %get3A_1119 : i32 to index
        %get3A_1123 = arith.index_cast %mul3A_83 : i32 to index
        %get3A_1124 = tpu.vector_load %arg8[%get3A_1120, %get3A_1121, %get3A_1122, %get3A_1123] {strides = array<i32>} : memref<8x2x8x128xf32, #tpu.memory_space<vmem>>, vector<1x1x1x16xf32>,
        %get3A_1125 = vector.shape_cast %get3A_1124 : vector<1x1x1x16xf32> to vector<16xf32>
        %get3A_1126 = arith.constant 7 : i32
        %get3A_1127 = arith.constant 0 : i32
        %get3A_1128 = arith.index_cast %get3A_1126 : i32 to index
        %get3A_1129 = arith.index_cast %select_n3A_107 : i32 to index
        %get3A_1130 = arith.index_cast %get3A_1127 : i32 to index
        %get3A_1131 = arith.index_cast %mul3A_83 : i32 to index
        %get3A_1132 = tpu.vector_load %arg9[%get3A_1128, %get3A_1129, %get3A_1130, %get3A_1131] {strides = array<i32>} : memref<8x2x8x128xf32, #tpu.memory_space<vmem>>, vector<1x1x1x16xf32>,
        %get3A_1133 = vector.shape_cast %get3A_1132 : vector<1x1x1x16xf32> to vector<16xf32>
        %mul3A_1134 = arith.mulf %get3A_1125, %get3A_1133 : vector<16xf32>
        %add3A_1135 = arith.addf %add3A_1117, %mul3A_1134 : vector<16xf32>
        %get3A_1136 = arith.constant 7 : i32
        %get3A_1137 = arith.constant 1 : i32
        %get3A_1138 = arith.index_cast %get3A_1136 : i32 to index
        %get3A_1139 = arith.index_cast %select_n3A_107 : i32 to index
        %get3A_1140 = arith.index_cast %get3A_1137 : i32 to index
        %get3A_1141 = arith.index_cast %mul3A_83 : i32 to index
        %get3A_1142 = tpu.vector_load %arg8[%get3A_1138, %get3A_1139, %get3A_1140, %get3A_1141] {strides = array<i32>} : memref<8x2x8x128xf32, #tpu.memory_space<vmem>>, vector<1x1x1x16xf32>,
        %get3A_1143 = vector.shape_cast %get3A_1142 : vector<1x1x1x16xf32> to vector<16xf32>
        %get3A_1144 = arith.constant 7 : i32
        %get3A_1145 = arith.constant 1 : i32
        %get3A_1146 = arith.index_cast %get3A_1144 : i32 to index
        %get3A_1147 = arith.index_cast %select_n3A_107 : i32 to index
        %get3A_1148 = arith.index_cast %get3A_1145 : i32 to index
        %get3A_1149 = arith.index_cast %mul3A_83 : i32 to index
        %get3A_1150 = tpu.vector_load %arg9[%get3A_1146, %get3A_1147, %get3A_1148, %get3A_1149] {strides = array<i32>} : memref<8x2x8x128xf32, #tpu.memory_space<vmem>>, vector<1x1x1x16xf32>,
        %get3A_1151 = vector.shape_cast %get3A_1150 : vector<1x1x1x16xf32> to vector<16xf32>
        %mul3A_1152 = arith.mulf %get3A_1143, %get3A_1151 : vector<16xf32>
        %add3A_1153 = arith.addf %add3A_1135, %mul3A_1152 : vector<16xf32>
        %get3A_1154 = arith.constant 7 : i32
        %get3A_1155 = arith.constant 2 : i32
        %get3A_1156 = arith.index_cast %get3A_1154 : i32 to index
        %get3A_1157 = arith.index_cast %select_n3A_107 : i32 to index
        %get3A_1158 = arith.index_cast %get3A_1155 : i32 to index
        %get3A_1159 = arith.index_cast %mul3A_83 : i32 to index
        %get3A_1160 = tpu.vector_load %arg8[%get3A_1156, %get3A_1157, %get3A_1158, %get3A_1159] {strides = array<i32>} : memref<8x2x8x128xf32, #tpu.memory_space<vmem>>, vector<1x1x1x16xf32>,
        %get3A_1161 = vector.shape_cast %get3A_1160 : vector<1x1x1x16xf32> to vector<16xf32>
        %get3A_1162 = arith.constant 7 : i32
        %get3A_1163 = arith.constant 2 : i32
        %get3A_1164 = arith.index_cast %get3A_1162 : i32 to index
        %get3A_1165 = arith.index_cast %select_n3A_107 : i32 to index
        %get3A_1166 = arith.index_cast %get3A_1163 : i32 to index
        %get3A_1167 = arith.index_cast %mul3A_83 : i32 to index
        %get3A_1168 = tpu.vector_load %arg9[%get3A_1164, %get3A_1165, %get3A_1166, %get3A_1167] {strides = array<i32>} : memref<8x2x8x128xf32, #tpu.memory_space<vmem>>, vector<1x1x1x16xf32>,
        %get3A_1169 = vector.shape_cast %get3A_1168 : vector<1x1x1x16xf32> to vector<16xf32>
        %mul3A_1170 = arith.mulf %get3A_1161, %get3A_1169 : vector<16xf32>
        %add3A_1171 = arith.addf %add3A_1153, %mul3A_1170 : vector<16xf32>
        %get3A_1172 = arith.constant 7 : i32
        %get3A_1173 = arith.constant 3 : i32
        %get3A_1174 = arith.index_cast %get3A_1172 : i32 to index
        %get3A_1175 = arith.index_cast %select_n3A_107 : i32 to index
        %get3A_1176 = arith.index_cast %get3A_1173 : i32 to index
        %get3A_1177 = arith.index_cast %mul3A_83 : i32 to index
        %get3A_1178 = tpu.vector_load %arg8[%get3A_1174, %get3A_1175, %get3A_1176, %get3A_1177] {strides = array<i32>} : memref<8x2x8x128xf32, #tpu.memory_space<vmem>>, vector<1x1x1x16xf32>,
        %get3A_1179 = vector.shape_cast %get3A_1178 : vector<1x1x1x16xf32> to vector<16xf32>
        %get3A_1180 = arith.constant 7 : i32
        %get3A_1181 = arith.constant 3 : i32
        %get3A_1182 = arith.index_cast %get3A_1180 : i32 to index
        %get3A_1183 = arith.index_cast %select_n3A_107 : i32 to index
        %get3A_1184 = arith.index_cast %get3A_1181 : i32 to index
        %get3A_1185 = arith.index_cast %mul3A_83 : i32 to index
        %get3A_1186 = tpu.vector_load %arg9[%get3A_1182, %get3A_1183, %get3A_1184, %get3A_1185] {strides = array<i32>} : memref<8x2x8x128xf32, #tpu.memory_space<vmem>>, vector<1x1x1x16xf32>,
        %get3A_1187 = vector.shape_cast %get3A_1186 : vector<1x1x1x16xf32> to vector<16xf32>
        %mul3A_1188 = arith.mulf %get3A_1179, %get3A_1187 : vector<16xf32>
        %add3A_1189 = arith.addf %add3A_1171, %mul3A_1188 : vector<16xf32>
        %get3A_1190 = arith.constant 7 : i32
        %get3A_1191 = arith.constant 4 : i32
        %get3A_1192 = arith.index_cast %get3A_1190 : i32 to index
        %get3A_1193 = arith.index_cast %select_n3A_107 : i32 to index
        %get3A_1194 = arith.index_cast %get3A_1191 : i32 to index
        %get3A_1195 = arith.index_cast %mul3A_83 : i32 to index
        %get3A_1196 = tpu.vector_load %arg8[%get3A_1192, %get3A_1193, %get3A_1194, %get3A_1195] {strides = array<i32>} : memref<8x2x8x128xf32, #tpu.memory_space<vmem>>, vector<1x1x1x16xf32>,
        %get3A_1197 = vector.shape_cast %get3A_1196 : vector<1x1x1x16xf32> to vector<16xf32>
        %get3A_1198 = arith.constant 7 : i32
        %get3A_1199 = arith.constant 4 : i32
        %get3A_1200 = arith.index_cast %get3A_1198 : i32 to index
        %get3A_1201 = arith.index_cast %select_n3A_107 : i32 to index
        %get3A_1202 = arith.index_cast %get3A_1199 : i32 to index
        %get3A_1203 = arith.index_cast %mul3A_83 : i32 to index
        %get3A_1204 = tpu.vector_load %arg9[%get3A_1200, %get3A_1201, %get3A_1202, %get3A_1203] {strides = array<i32>} : memref<8x2x8x128xf32, #tpu.memory_space<vmem>>, vector<1x1x1x16xf32>,
        %get3A_1205 = vector.shape_cast %get3A_1204 : vector<1x1x1x16xf32> to vector<16xf32>
        %mul3A_1206 = arith.mulf %get3A_1197, %get3A_1205 : vector<16xf32>
        %add3A_1207 = arith.addf %add3A_1189, %mul3A_1206 : vector<16xf32>
        %get3A_1208 = arith.constant 7 : i32
        %get3A_1209 = arith.constant 5 : i32
        %get3A_1210 = arith.index_cast %get3A_1208 : i32 to index
        %get3A_1211 = arith.index_cast %select_n3A_107 : i32 to index
        %get3A_1212 = arith.index_cast %get3A_1209 : i32 to index
        %get3A_1213 = arith.index_cast %mul3A_83 : i32 to index
        %get3A_1214 = tpu.vector_load %arg8[%get3A_1210, %get3A_1211, %get3A_1212, %get3A_1213] {strides = array<i32>} : memref<8x2x8x128xf32, #tpu.memory_space<vmem>>, vector<1x1x1x16xf32>,
        %get3A_1215 = vector.shape_cast %get3A_1214 : vector<1x1x1x16xf32> to vector<16xf32>
        %get3A_1216 = arith.constant 7 : i32
        %get3A_1217 = arith.constant 5 : i32
        %get3A_1218 = arith.index_cast %get3A_1216 : i32 to index
        %get3A_1219 = arith.index_cast %select_n3A_107 : i32 to index
        %get3A_1220 = arith.index_cast %get3A_1217 : i32 to index
        %get3A_1221 = arith.index_cast %mul3A_83 : i32 to index
        %get3A_1222 = tpu.vector_load %arg9[%get3A_1218, %get3A_1219, %get3A_1220, %get3A_1221] {strides = array<i32>} : memref<8x2x8x128xf32, #tpu.memory_space<vmem>>, vector<1x1x1x16xf32>,
        %get3A_1223 = vector.shape_cast %get3A_1222 : vector<1x1x1x16xf32> to vector<16xf32>
        %mul3A_1224 = arith.mulf %get3A_1215, %get3A_1223 : vector<16xf32>
        %add3A_1225 = arith.addf %add3A_1207, %mul3A_1224 : vector<16xf32>
        %get3A_1226 = arith.constant 7 : i32
        %get3A_1227 = arith.constant 6 : i32
        %get3A_1228 = arith.index_cast %get3A_1226 : i32 to index
        %get3A_1229 = arith.index_cast %select_n3A_107 : i32 to index
        %get3A_1230 = arith.index_cast %get3A_1227 : i32 to index
        %get3A_1231 = arith.index_cast %mul3A_83 : i32 to index
        %get3A_1232 = tpu.vector_load %arg8[%get3A_1228, %get3A_1229, %get3A_1230, %get3A_1231] {strides = array<i32>} : memref<8x2x8x128xf32, #tpu.memory_space<vmem>>, vector<1x1x1x16xf32>,
        %get3A_1233 = vector.shape_cast %get3A_1232 : vector<1x1x1x16xf32> to vector<16xf32>
        %get3A_1234 = arith.constant 7 : i32
        %get3A_1235 = arith.constant 6 : i32
        %get3A_1236 = arith.index_cast %get3A_1234 : i32 to index
        %get3A_1237 = arith.index_cast %select_n3A_107 : i32 to index
        %get3A_1238 = arith.index_cast %get3A_1235 : i32 to index
        %get3A_1239 = arith.index_cast %mul3A_83 : i32 to index
        %get3A_1240 = tpu.vector_load %arg9[%get3A_1236, %get3A_1237, %get3A_1238, %get3A_1239] {strides = array<i32>} : memref<8x2x8x128xf32, #tpu.memory_space<vmem>>, vector<1x1x1x16xf32>,
        %get3A_1241 = vector.shape_cast %get3A_1240 : vector<1x1x1x16xf32> to vector<16xf32>
        %mul3A_1242 = arith.mulf %get3A_1233, %get3A_1241 : vector<16xf32>
        %add3A_1243 = arith.addf %add3A_1225, %mul3A_1242 : vector<16xf32>
        %get3A_1244 = arith.constant 7 : i32
        %get3A_1245 = arith.constant 7 : i32
        %get3A_1246 = arith.index_cast %get3A_1244 : i32 to index
        %get3A_1247 = arith.index_cast %select_n3A_107 : i32 to index
        %get3A_1248 = arith.index_cast %get3A_1245 : i32 to index
        %get3A_1249 = arith.index_cast %mul3A_83 : i32 to index
        %get3A_1250 = tpu.vector_load %arg8[%get3A_1246, %get3A_1247, %get3A_1248, %get3A_1249] {strides = array<i32>} : memref<8x2x8x128xf32, #tpu.memory_space<vmem>>, vector<1x1x1x16xf32>,
        %get3A_1251 = vector.shape_cast %get3A_1250 : vector<1x1x1x16xf32> to vector<16xf32>
        %get3A_1252 = arith.constant 7 : i32
        %get3A_1253 = arith.constant 7 : i32
        %get3A_1254 = arith.index_cast %get3A_1252 : i32 to index
        %get3A_1255 = arith.index_cast %select_n3A_107 : i32 to index
        %get3A_1256 = arith.index_cast %get3A_1253 : i32 to index
        %get3A_1257 = arith.index_cast %mul3A_83 : i32 to index
        %get3A_1258 = tpu.vector_load %arg9[%get3A_1254, %get3A_1255, %get3A_1256, %get3A_1257] {strides = array<i32>} : memref<8x2x8x128xf32, #tpu.memory_space<vmem>>, vector<1x1x1x16xf32>,
        %get3A_1259 = vector.shape_cast %get3A_1258 : vector<1x1x1x16xf32> to vector<16xf32>
        %mul3A_1260 = arith.mulf %get3A_1251, %get3A_1259 : vector<16xf32>
        %add3A_1261 = arith.addf %add3A_1243, %mul3A_1260 : vector<16xf32>
        %mul3A_1262 = arith.constant 256 : i32
        %mul3A_1263 = arith.muli %scan3A_12, %mul3A_1262 : i32
        %mul3A_1264 = arith.constant 16 : i32
        %mul3A_1265 = arith.muli %scan3A_66, %mul3A_1264 : i32
        %add3A_1266 = arith.addi %mul3A_1263, %mul3A_1265 : i32
        %get3A_1267 = arith.index_cast %add3A_1266 : i32 to index
        %get3A_1268 = tpu.vector_load %arg10[%get3A_1267] {strides = array<i32>} : memref<2048xf32, #tpu.memory_space<vmem>>, vector<16xf32>,
        %get3A_1269 = vector.shape_cast %get3A_1268 : vector<16xf32> to vector<16xf32>
        %add3A_1270 = arith.addf %add3A_1261, %get3A_1269 : vector<16xf32>
        %get3A_1271 = arith.index_cast %add3A_1266 : i32 to index
        %get3A_1272 = tpu.vector_load %arg11[%get3A_1271] {strides = array<i32>} : memref<2048xf32, #tpu.memory_space<vmem>>, vector<16xf32>,
        %get3A_1273 = vector.shape_cast %get3A_1272 : vector<16xf32> to vector<16xf32>
        %add3A_1274 = arith.addf %add3A_1270, %get3A_1273 : vector<16xf32>
        %swap3A = arith.index_cast %add3A_1266 : i32 to index
        %swap3A_1275 = tpu.vector_load %arg12[%swap3A] {strides = array<i32>} : memref<2048xf32, #tpu.memory_space<vmem>>, vector<16xf32>,
        %swap3A_1276 = vector.shape_cast %swap3A_1275 : vector<16xf32> to vector<16xf32>
        %swap3A_1277 = vector.shape_cast %add3A_1274 : vector<16xf32> to vector<16xf32>
        tpu.vector_store %arg12[%swap3A], %swap3A_1277 {strides = array<i32>} : memref<2048xf32, #tpu.memory_space<vmem>>, vector<16xf32>,
        %scan3A_1278 = arith.constant 0 : i32
        scf.yield %scan3A_1278 : i32
      }
      %scan3A_64 = arith.constant 16 : i32
      %scan3A_65 = arith.constant 0 : i32
      scf.yield %scan3A_65 : i32
    }
    %scan3A_10 = arith.constant 8 : i32
    %sub3A = arith.constant 196608 : i32
    %sub3A_11 = arith.subi %add3A_4, %sub3A : i32
    "tpu.region"() ({
      %run_scoped3A = tpu.sem_alloc : memref<!tpu.dma_semaphore, #tpu.memory_space<semaphore_mem>>
      %dma_start3A = tpu.memref_slice %arg7[%sub3A_11] : memref<65536xf32, #tpu.memory_space<hbm>> -> memref<2048xf32, #tpu.memory_space<hbm>>
      %dma_start3A_12 = tpu.memref_slice %arg7[%sub3A_11] : memref<65536xf32, #tpu.memory_space<hbm>> -> memref<2048xf32, #tpu.memory_space<hbm>>
      tpu.enqueue_dma source(%arg12 : memref<2048xf32, #tpu.memory_space<vmem>>) target(%dma_start3A_12 : memref<2048xf32, #tpu.memory_space<hbm>>) target_semaphore(%run_scoped3A : memref<!tpu.dma_semaphore, #tpu.memory_space<semaphore_mem>>)
      %dma_wait3A = tpu.memref_slice %arg7[%sub3A_11] : memref<65536xf32, #tpu.memory_space<hbm>> -> memref<2048xf32, #tpu.memory_space<hbm>>
      %dma_wait3A_13 = tpu.memref_slice %arg7[%sub3A_11] : memref<65536xf32, #tpu.memory_space<hbm>> -> memref<2048xf32, #tpu.memory_space<hbm>>
      tpu.wait_dma2 semaphore(%run_scoped3A : memref<!tpu.dma_semaphore, #tpu.memory_space<semaphore_mem>>) src(%arg12 : memref<2048xf32, #tpu.memory_space<vmem>>) dst(%dma_wait3A_13 : memref<2048xf32, #tpu.memory_space<hbm>>)
      tpu.yield
    }) : () -> ()
    return
  }
}

module attributes {stable_mosaic.version = 14 : i64} {
  func.func @_tc_body(%arg0: i32, %arg1: memref<64x16384xf32, #tpu.memory_space<vmem>>, %arg2: memref<64x16384xf32, #tpu.memory_space<vmem>>, %arg3: memref<16384xf32, #tpu.memory_space<vmem>>, %arg4: memref<16384xf32, #tpu.memory_space<vmem>>, %arg5: memref<1x1xf32, #tpu.memory_space<vmem>>, %arg6: memref<16384xf32, #tpu.memory_space<vmem>>) attributes {dimension_semantics = [#tpu.dimension_semantics<arbitrary>], iteration_bounds = array<i64: 12>, scalar_prefetch = 0 : i64, scratch_operands = 0 : i64, tpu.core_type = #tpu.core_type<tc>, window_params = [{transform_indices = @transform_0, window_bounds = array<i64: 64, 16384>}, {transform_indices = @transform_1, window_bounds = array<i64: 64, 16384>}, {transform_indices = @transform_2, window_bounds = array<i64: 16384>}, {transform_indices = @transform_3, window_bounds = array<i64: 16384>}, {pipeline_mode = #tpu.pipeline_mode<synchronous>, transform_indices = @transform_4, window_bounds = array<i64: 1, 1>}, {transform_indices = @transform_5, window_bounds = array<i64: 16384>}]} {
    %get3A = arith.constant 0 : index
    %get3A_0 = arith.constant 0 : index
    %get3A_1 = vector.load %arg1[%get3A, %get3A_0] : memref<64x16384xf32, #tpu.memory_space<vmem>>, vector<64x16384xf32>
    %get3A_2 = arith.constant 0 : index
    %get3A_3 = arith.constant 0 : index
    %get3A_4 = vector.load %arg2[%get3A_2, %get3A_3] : memref<64x16384xf32, #tpu.memory_space<vmem>>, vector<64x16384xf32>
    %mul3A = arith.mulf %get3A_1, %get3A_4 : vector<64x16384xf32>
    %reduce_sum3A = arith.constant dense<0.000000e+00> : vector<16384xf32>
    %reduce_sum3A_5 = vector.multi_reduction <add>, %mul3A, %reduce_sum3A [0] : vector<64x16384xf32> to vector<16384xf32>
    %get3A_6 = arith.constant 0 : index
    %get3A_7 = vector.load %arg3[%get3A_6] : memref<16384xf32, #tpu.memory_space<vmem>>, vector<16384xf32>
    %add3A = arith.addf %reduce_sum3A_5, %get3A_7 : vector<16384xf32>
    %get3A_8 = arith.constant 0 : index
    %get3A_9 = vector.load %arg4[%get3A_8] : memref<16384xf32, #tpu.memory_space<vmem>>, vector<16384xf32>
    %add3A_10 = arith.addf %add3A, %get3A_9 : vector<16384xf32>
    %get3A_11 = arith.constant 0 : index
    %get3A_12 = arith.constant 0 : index
    %get3A_13 = vector.load %arg5[%get3A_11, %get3A_12] : memref<1x1xf32, #tpu.memory_space<vmem>>, vector<1x1xf32>
    %get3A_14 = vector.extract %get3A_13[0, 0] : f32 from vector<1x1xf32>
    %add3A_15 = vector.broadcast %get3A_14 : f32 to vector<16384xf32>
    %add3A_16 = arith.addf %add3A_10, %add3A_15 : vector<16384xf32>
    %swap3A = arith.constant 0 : index
    %swap3A_17 = vector.load %arg6[%swap3A] : memref<16384xf32, #tpu.memory_space<vmem>>, vector<16384xf32>
    tpu.vector_store %arg6[%swap3A], %add3A_16 {strides = array<i32>} : memref<16384xf32, #tpu.memory_space<vmem>>, vector<16384xf32>,
    return
  }
  func.func @transform_0(%arg0: i32) -> (i32, i32) {
    %c0_i32 = arith.constant 0 : i32
    %c0_i32_0 = arith.constant 0 : i32
    return %c0_i32, %arg0 : i32, i32
  }
  func.func @transform_1(%arg0: i32) -> (i32, i32) {
    %c0_i32 = arith.constant 0 : i32
    %c0_i32_0 = arith.constant 0 : i32
    return %c0_i32, %arg0 : i32, i32
  }
  func.func @transform_2(%arg0: i32) -> i32 {
    %c0_i32 = arith.constant 0 : i32
    return %arg0 : i32
  }
  func.func @transform_3(%arg0: i32) -> i32 {
    %c0_i32 = arith.constant 0 : i32
    return %arg0 : i32
  }
  func.func @transform_4(%arg0: i32) -> (i32, i32) {
    %c0_i32 = arith.constant 0 : i32
    %c0_i32_0 = arith.constant 0 : i32
    %c0_i32_1 = arith.constant 0 : i32
    return %c0_i32, %c0_i32_0 : i32, i32
  }
  func.func @transform_5(%arg0: i32) -> i32 {
    %c0_i32 = arith.constant 0 : i32
    return %arg0 : i32
  }
}

</mosaic_0001>

<sc_bundles>
// kernel: kernel.4.cloned.1.call-start
scs
__scs_entry_jumppad:
0x0: {  	(pc) =	sbr.rel $0x88, $3  }
0x1: {  	(tag) =	ssettag $0x0;
	lr =	simm.s32 $0x1  }
0x2: {  	[smem:$0x3F9C] =	sst lr;
	_ =	strace $0xD0000000  }
0x3: {  	_ = 	snop  }
0x4: {  	_ = 	snop  }
0x5: {  	_ = 	snop  }
0x6: {  	_ = 	snop  }
0x7: {  	_ = 	snop  }
__scs_overlays_trampoline_lowered:
0x8: {  	[smem:$0x3FAB] =	sst s0  }
0x9: {  	[smem:$0x3FAC] =	sst s1  }
0xa: {  	[smem:$0x3FAD] =	sst s2  }
0xb: {  	[smem:$0x3FAE] =	sst s3  }
0xc: {  	[smem:$0x3FAF] =	sst s4  }
0xd: {  	[smem:$0x3FB0] =	sst s5  }
0xe: {  	[smem:$0x3FB1] =	sst s6  }
0xf: {  	[smem:$0x3FB2] =	sst s7  }
0x10: {  	[smem:$0x3FB3] =	sst s8  }
0x11: {  	[smem:$0x3FB4] =	sst s9;
	s0 =	simm.s32 @!p0 $0x0  }
0x12: {  	s1 =	sld [smem:$0x3F9A];
	s0 =	simm.s32 @p0 $0x1  }
0x13: {  	[smem:$0x3FB5] =	sst s0;
	s0 =	simm.s32 @!p1 $0x0  }
0x14: {  	s2 =	sld [smem:$0x3F99];
	s0 =	simm.s32 @p1 $0x1  }
0x15: {  	[smem:$0x3FB6] =	sst s0;
	s0 =	simm.s32 @!p2 $0x0  }
0x16: {  	s3 =	sld [smem:$0x3FDB];
	s0 =	simm.s32 @p2 $0x1  }
0x17: {  	s4 =	simm.s32 $0x1BF5;
	[smem:$0x3FB8] =	sst s0  }
0x18: {  	s0 =	sld [smem:$0x3F9B];
	_ =	swait.ge [sflag:s4], $0x0  }
0x19: {  	s7 =	sld [smem:$0x3F9C]  }
0x1a: {  	s8 =	sadd.s32 $0xFFFFE003, lr  }
0x1b: {  	s9 =	sadd.s32 $0xFFFFFEF7, lr;
	s5 =	simm.s32 $0xFFFFFFFF;
	p2 =	slt.u32 s8, $0xFFFFF086  }
0x1c: {  	p1 =	slt.u32 s9, $0xF7A;
	s5 =	simm.s32 @!p2 $0x0  }
0x1d: {  	s5 =	simm.s32 @p1 $0x1;
	p0 =	seq.s32 s7, s2  }
0x1e: {  	s7 =	smul.u32 @!p0 $0xF7A, s2;
	p2 =	seq.s32 @!p0 s5, $0x0  }
0x1f: {  	s9 =	smul.u32 $0xF7A, s1;
	s8 =	simm.s32 @!p0 $0x1BF5;
	p2 =	por !p2, p0  }
0x20: {  	[sflag:s8] =	ssyncset.s32 @!p0 $0xFFFFF086;
	s6 =	sadd.s32 @!p0 s3, s7;
	s7 =	simm.s32 @!p0 $0x108  }
0x21: {  	s3 =	sadd.s32 s3, s9;
	s6 =	sadd.s32 @!p0 $0x88, s6;
	s7 =	simm.s32 @p2 $0x1082  }
0x22: {  	[simem:s7], [sflag:s8] =	dma.local @!p0 [hbm:s6], $0xF7A  }
0x23: {  	s9 =	sor.u32 $0xD0000000, s2;
	s6 =	simm.s32 $0x108;
	_ =	swait.ge @!p0 [sflag:s8], $0x0  }
0x24: {  	s3 =	sadd.s32 $0x88, s3;
	s6 =	simm.s32 @!p1 $0x1082;
	[sflag:s4] =	ssyncset.s32 $0xFFFFF086  }
0x25: {  	[simem:s6], [sflag:s4] =	dma.local [hbm:s3], $0xF7A  }
0x26: {  	[smem:$0x3F9C] =	sst s1;
	(tag) =	ssettag s2;
	_ =	strace s9  }
0x27: {  	s1 =	sld [smem:$0x3FAC]  }
0x28: {  	s2 =	sld [smem:$0x3FAD]  }
0x29: {  	s4 =	sld [smem:$0x3FAF]  }
0x2a: {  	p0 =	seq.s32 s5, $0x0;
	s5 =	sld [smem:$0x3FB0]  }
0x2b: {  	s6 =	sld [smem:$0x3FB1]  }
0x2c: {  	s7 =	sld [smem:$0x3FB2]  }
0x2d: {  	s3 =	simm.s32 $0x108;
	s8 =	sld [smem:$0x3FB3]  }
0x2e: {  	s3 =	simm.s32 @!p0 $0x1082;
	s9 =	sld [smem:$0x3FB4]  }
0x2f: {  	lr =	sadd.s32 s0, s3;
	s0 =	sld [smem:$0x3FAB]  }
0x30: {  	s3 =	sld [smem:$0x3FAE]  }
0x31: {  	[smem:$0x3FB7] =	sst s10  }
0x32: {  	s10 =	sld [smem:$0x3FB5];
	_ =	sdelay $0x3  }
0x33: {  	p0 =	seq.s32 s10, $0x1;
	s10 =	sld [smem:$0x3FB7];
	_ =	sdelay $0x3  }
0x34: {  	[smem:$0x3FB7] =	sst s10  }
0x35: {  	s10 =	sld [smem:$0x3FB6];
	_ =	sdelay $0x3  }
0x36: {  	p1 =	seq.s32 s10, $0x1;
	s10 =	sld [smem:$0x3FB7];
	_ =	sdelay $0x3  }
0x37: {  	[smem:$0x3FB7] =	sst s10  }
0x38: {  	s10 =	sld [smem:$0x3FB8]  }
0x39: {  	_ = 	snop;
	(pc) =	sbr.ind lr, $3  }
0x3a: {  	_ = 	snop  }
0x3b: {  	_ = 	snop  }
0x3c: {  	p2 =	seq.s32 s10, $0x1;
	s10 =	sld [smem:$0x3FB7]  }
0x3d: {  	_ =	shalt  }
0x3e: {  	_ =	shalt  }
0x3f: {  	_ =	shalt  }
0x40: {  	_ =	shalt  }
0x41: {  	_ =	shalt  }
0x42: {  	_ =	shalt  }
0x43: {  	_ =	shalt  }
0x44: {  	_ =	shalt  }
0x45: {  	_ =	shalt  }
0x46: {  	_ =	shalt  }
0x47: {  	_ =	shalt  }
0x48: {  	_ =	shalt  }
0x49: {  	_ =	shalt  }
0x4a: {  	_ =	shalt  }
0x4b: {  	_ =	shalt  }
0x4c: {  	_ =	shalt  }
0x4d: {  	_ =	shalt  }
0x4e: {  	_ =	shalt  }
0x4f: {  	_ =	shalt  }
0x50: {  	_ =	shalt  }
0x51: {  	_ =	shalt  }
0x52: {  	_ =	shalt  }
0x53: {  	_ =	shalt  }
0x54: {  	_ =	shalt  }
0x55: {  	_ =	shalt  }
0x56: {  	_ =	shalt  }
0x57: {  	_ =	shalt  }
0x58: {  	_ =	shalt  }
0x59: {  	_ =	shalt  }
0x5a: {  	_ =	shalt  }
0x5b: {  	_ =	shalt  }
0x5c: {  	_ =	shalt  }
0x5d: {  	_ =	shalt  }
0x5e: {  	_ =	shalt  }
0x5f: {  	_ =	shalt  }
0x60: {  	_ =	shalt  }
0x61: {  	_ =	shalt  }
0x62: {  	_ =	shalt  }
0x63: {  	_ =	shalt  }
0x64: {  	_ =	shalt  }
0x65: {  	_ =	shalt  }
0x66: {  	_ =	shalt  }
0x67: {  	_ =	shalt  }
0x68: {  	_ =	shalt  }
0x69: {  	_ =	shalt  }
0x6a: {  	_ =	shalt  }
0x6b: {  	_ =	shalt  }
0x6c: {  	_ =	shalt  }
0x6d: {  	_ =	shalt  }
0x6e: {  	_ =	shalt  }
0x6f: {  	_ =	shalt  }
0x70: {  	_ =	shalt  }
0x71: {  	_ =	shalt  }
0x72: {  	_ =	shalt  }
0x73: {  	_ =	shalt  }
0x74: {  	_ =	shalt  }
0x75: {  	_ =	shalt  }
0x76: {  	_ =	shalt  }
0x77: {  	_ =	shalt  }
0x78: {  	_ =	shalt  }
0x79: {  	_ =	shalt  }
0x7a: {  	_ =	shalt  }
0x7b: {  	_ =	shalt  }
0x7c: {  	_ =	shalt  }
0x7d: {  	_ =	shalt  }
0x7e: {  	_ =	shalt  }
0x7f: {  	_ =	shalt  }
0x80: {  	_ =	shalt  }
0x81: {  	_ =	shalt  }
0x82: {  	_ =	shalt  }
0x83: {  	_ =	shalt  }
0x84: {  	_ =	shalt  }
0x85: {  	_ =	shalt  }
0x86: {  	_ =	shalt  }
0x87: {  	_ =	shalt  }
.Lfunc_end0:
.L_simem_size_0:
called_computation_lowered:
.L_overlay_start_0:
0x88: {  	s2 =	sld [smem:$0x3FD9]  }
0x89: {  	s3 =	sld [smem:$0x3FFE];
	_ =	sdelay $0x1  }
0x8a: {  	s1 =	srdreg.scid  }
0x8b: {  	s0 =	sand.u32 $0x1, s1  }
0x8c: {  	s17 =	sshll.u32 s0, $0xA;
	s2 =	sadd.s32 s3, s2  }
0x8d: {  	s2 =	sadd.s32 s2, s17  }
0x8e: {  	[smem:$0x3FC3] =	sst s2  }
0x8f: {  	_ = 	snop  }
0x90: {  	s2 =	sld [smem:$0x3FC9]  }
0x91: {  	s18 =	sld [smem:$0x3FC8]  }
0x92: {  	s4 =	sld [smem:$0x3FC7]  }
0x93: {  	s5 =	sld [smem:$0x3FC6];
	(tm) =	ssettm $0x1  }
0x94: {  	s6 =	sld [smem:$0x3FFB];
	_ =	sdelay $0x3  }
0x95: {  	_ =	strace s6  }
0x96: {  	s6 =	sld [smem:$0x3FFC];
	_ =	sdelay $0x3  }
0x97: {  	_ =	strace s6  }
0x98: {  	s6 =	sld [smem:$0x3FFD];
	_ =	sdelay $0x3  }
0x99: {  	_ =	strace s6  }
0x9a: {  	_ =	strace $0x8FFFFFFF  }
0x9b: {  	s19 =	sld [smem:$0x3FDB];
	_ =	sdelay $0x1  }
0x9c: {  	s7 =	simm.s32 $_scs_section_size  }
0x9d: {  	s8 =	simm.s32 $_size__tile_overlayer_lowered;
	s9 =	simm.s32 $_tile_overlayer_lowered  }
0x9e: {  	s22 =	simm.s32 $0x1BFF;
	s21 =	sshll.u32 s9, $0x1;
	s6 =	sadd.s32 s7, s19  }
0x9f: {  	s10 =	simm.s32 $0x0;
	s20 =	sshll.u32 s8, $0x1;
	s8 =	sadd.s32 s21, s6  }
0xa0: {  	[timem:s10], [sflag:s22] =	dma.local [hbm:s8], s20  }
0xa1: {  	_ =	swait.ge [sflag:s22], s20  }
0xa2: {  	s7 =	ssub.s32 $0x0, s20;
	[sflag:s22] =	ssyncset.done $0x0  }
0xa3: {  	[sflag:s22] =	ssyncadd.s32 s7;
	_ =	sdelay $0x1  }
0xa4: {  	s23 =	simm.s32 $0x1B8B  }
0xa5: {  	_ =	swait.ge [sflag:s23], $0x1  }
0xa6: {  	[sflag:s23] =	ssyncset.done $0x0  }
0xa7: {  	s25 =	simm.s32 $0x1B8E;
	s24 =	sld [smem:$0x3FFE];
	[sflag:s23] =	ssyncadd.s32 $0xFFFFFFFF  }
0xa8: {  	s26 =	simm.s32 $execute0_lowered;
	[smem:$0x3FD2] =	sst s25  }
0xa9: {  	s8 =	sshll.u32 s26, $0x1;
	_ =	strace $0x80000046;
	[dreg:$0x1] =	wrdreg $0xFFFFFFFF  }
0xaa: {  	s28 =	simm.s32 $_size_execute0_lowered;
	s6 =	sadd.s32 s6, s8;
	[dreg:$0x0] =	wrdreg $0x0  }
0xab: {  	s8 =	sshll.u32 s28, $0x1;
	[dreg:$0x2] =	wrdreg s6  }
0xac: {  	[dreg:$0x3] =	wrdreg s8  }
0xad: {  	[dreg:$0x4] =	wrdreg $0xC0  }
0xae: {  	_ =	task [dreg:s10], $0x5FFFF  }
0xaf: {  	[dreg:$0x1] =	wrdreg $0xFFFFFFFF  }
0xb0: {  	[dreg:$0x0] =	wrdreg $0x60  }
0xb1: {  	[dreg:$0x2] =	wrdreg s2  }
0xb2: {  	[dreg:$0x3] =	wrdreg s18  }
0xb3: {  	[dreg:$0x4] =	wrdreg s4  }
0xb4: {  	[dreg:$0x5] =	wrdreg s5  }
0xb5: {  	[dreg:$0x6] =	wrdreg s24  }
0xb6: {  	[dreg:$0x7] =	wrdreg $0x9  }
0xb7: {  	_ =	task.clear_ibuf [dreg:s10], $0x8FFFF;
	_ =	strace $0x90000046  }
0xb8: {  	s29 =	simm.s32 $0x9;
	_ =	strace $0x80000048  }
0xb9: {  	_ =	swait.ge [sflag:s29], $0x1  }
0xba: {  	[sflag:s29] =	ssyncadd.s32 $0xFFFFFFFF  }
0xbb: {  	_ =	strace $0x90000048  }
0xbc: {  	_ =	sfence  }
0xbd: {  	s30 =	sld [smem:$0x0];
	_ =	sdelay $0x2  }
0xbe: {  	s31 =	sshll.u32 s1, $0xD;
	s1 =	sshrl.u32 s1, $0x2  }
0xbf: {  	s3 =	sand.u32 $0x4000, s31;
	s1 =	sadd.s32 s1, s30  }
0xc0: {  	s0 =	sor.u32 s3, s0;
	s1 =	sshll.u32 s1, $0x11  }
0xc1: {  	s0 =	sor.u32 s1, s0  }
0xc2: {  	s0 =	sadd.s32 $0x8F2B, s0  }
0xc3: {  	[sflag:s0] =	ssyncadd.remote.s32 $0x1  }
0xc4: {  	_ =	sfence.sel $0xFFFF  }
0xc5: {  	[dreg:$0x0] =	wrdreg $0xFFFFFFFF;
	(pc) =	sbr.abs _section_cstart, $3  }
0xc6: {  	[dreg:$0x1] =	wrdreg $0xFFFFFFFF  }
0xc7: {  	_ =	task.clear_ibuf [dreg:s10], $0x2FFFF;
	_ =	strace $0x9FFFFFFF  }
0xc8: {  	(tm) =	ssettm $0x7FFFFFFF  }
0xc9: {  	_ =	shalt  }
tec
execute0_lowered:
.L_overlay_start_1:
0x0: {  	(tag) =	ssettag $0x1  }
0x1: {  	s1 =	rddreg [dreg:$0x0]  }
0x2: {  	s2 =	rddreg [dreg:$0x1]  }
0x3: {  	s7 =	rddreg [dreg:$0x2]  }
0x4: {  	s8 =	rddreg [dreg:$0x3]  }
0x5: {  	s9 =	rddreg [dreg:$0x4];
	s5 =	srdreg.scid  }
0x6: {  	s4 =	simm.s32 $0x0;
	s3 =	stileid.u32;
	s13 =	simm.s32 $0x800  }
0x7: {  	s14 =	simm.s32 $0x200000;
	s15 =	simm.s32 $0x4000;
	s16 =	simm.s32 $0x9000  }
0x8: {  	s17 =	simm.s32 $0x0;
	s6 =	sand.u32 $0x1, s5;
	[smem:$0x7FF] =	sst s4  }
0x9: {  	s10 =	sshll.u32 s3, $0xC;
	s5 =	sadd.s32 $0x800, s9;
	s11 =	sshll.u32 s6, $0xB  }
0xa: {  	_ =	strace $0x80000047;
	s12 =	ssub.s32 $0x2, s6;
	s10 =	sor.u32 s11, s10  }
0xb: {  	s30 =	sshrl.u32 s12, $0x1;
	s11 =	sshrl.u32 s10, $0x3;
	s6 =	sor.u32 $0x30000, s10  }
0xc: {  	s10 =	ssub.s32 s12, s30;
	s12 =	simm.s32 $0x1;
	s9 =	sadd.s32 s11, s9  }
0xd: {  	s31 =	sshrl.u32 s6, $0x3;
	s10 =	smax.u32 s10, $0x1;
	s11 =	simm.s32 $0x9800  }
0xe: {  	s7 =	sadd.s32 s7, s31;
	s8 =	sadd.s32 s8, s31;
	s9 =	sadd.s32 $0xA00, s9  }
.LBB2_1:
0xf: {  	[tilespmem:s11], [sflag:$0x1] =	stream.linear.gather [hbm4b:s5+s4], $0x80, $0x38;
	[tilespmem:$0x9880] =	vst v63  }
0x10: {  	_ =	swait.ge [sflag:s12], $0x80  }
0x11: {  	[sflag:s12] =	ssyncset.done $0x0  }
0x12: {  	s18 =	simm.s32 $0x8000;
	[sflag:s12] =	ssyncadd.s32 $0xFFFFFF80  }
0x13: {  	[tilespmem:s18], [sflag:$0x1] =	stream.linear.gather [hbm4b:s7+s4], $0x800, $0x38;
	[tilespmem:$0x9880] =	vst v63  }
0x14: {  	_ =	swait.ge [sflag:s12], $0x800  }
0x15: {  	[sflag:s12] =	ssyncset.done $0x0  }
0x16: {  	s19 =	simm.s32 $0x8800;
	[sflag:s12] =	ssyncadd.s32 $0xFFFFF800  }
0x17: {  	[tilespmem:s19], [sflag:$0x1] =	stream.linear.gather [hbm4b:s8+s4], $0x800, $0x38;
	[tilespmem:$0x9880] =	vst v63  }
0x18: {  	_ =	swait.ge [sflag:s12], $0x800  }
0x19: {  	[sflag:s12] =	ssyncset.done $0x0  }
0x1a: {  	s20 =	simm.s32 $0x9000;
	s21 =	simm.s32 $0x0;
	[sflag:s12] =	ssyncadd.s32 $0xFFFFF800  }
.LBB2_2:
0x1b: {  	s22 =	sshll.u32 s21, $0x8  }
0x1c: {  	s22 =	sor.u32 s6, s22  }
0x1d: {  	s24 =	simm.s32 $0x0;
	s23 =	sadd.s32 s1, s22  }
0x1e: {  	[tilespmem:s24], [sflag:$0x1] =	stream.strided.gather [hbm4b:s23+s13], $0x4000, s14, s13, $0x38;
	[tilespmem:$0x9880] =	vst v63  }
0x1f: {  	_ =	swait.ge [sflag:s12], $0x4000  }
0x20: {  	[sflag:s12] =	ssyncset.done $0x0  }
0x21: {  	s22 =	sadd.s32 s2, s22;
	[sflag:s12] =	ssyncadd.s32 $0xFFFFC000  }
0x22: {  	[tilespmem:s15], [sflag:$0x1] =	stream.strided.gather [hbm4b:s22+s13], $0x4000, s14, s13, $0x38;
	[tilespmem:$0x9880] =	vst v63  }
0x23: {  	_ =	swait.ge [sflag:s12], $0x4000  }
0x24: {  	[sflag:s12] =	ssyncset.done $0x0  }
0x25: {  	s26 =	sand.u32 $0x400, s24;
	s23 =	sand.u32 $0x70, s24;
	[sflag:s12] =	ssyncadd.s32 $0xFFFFC000  }
0x26: {  	s25 =	sand.u32 $0xFFFFFC00, s24;
	s22 =	sor.u32 s23, s26;
	v0 =	vld [tilespmem:$0x9800]  }
0x27: {  	s23 =	sadd.s32 $0x0, s25;
	v1 =	vld [tilespmem:s22+$0x0]  }
0x28: {  	s25 =	sor.u32 $0x80, s23;
	v2 =	vld [tilespmem:s22+$0x4000]  }
0x29: {  	v3 =	vld [tilespmem:s25+$0x0]  }
0x2a: {  	v4 =	vld [tilespmem:s25+$0x4000]  }
0x2b: {  	v5 =	vld [tilespmem:s22+$0x100]  }
0x2c: {  	s31 =	sor.u32 $0x180, s23;
	v6 =	vld [tilespmem:s22+$0x4100]  }
0x2d: {  	v7 =	vld [tilespmem:s31+$0x4000];
	v1 =	vmul.f32 v2, v1  }
0x2e: {  	v2 =	vld [tilespmem:s31+$0x0]  }
0x2f: {  	v39 =	vld [tilespmem:s22+$0x4200];
	v0 =	vadd.f32 v1, v0;
	v1 =	vmul.f32 v4, v3  }
0x30: {  	s0 =	sor.u32 $0x280, s23;
	v3 =	vld [tilespmem:s22+$0x200]  }
0x31: {  	v40 =	vld [tilespmem:s0+$0x0];
	v0 =	vadd.f32 v1, v0;
	v1 =	vmul.f32 v6, v5  }
0x32: {  	v41 =	vld [tilespmem:s0+$0x4000]  }
0x33: {  	s24 =	sor.u32 s24, s24;
	v42 =	vld [tilespmem:s22+$0x4300];
	v0 =	vadd.f32 v1, v0;
	v1 =	vmul.f32 v7, v2  }
0x34: {  	s26 =	sor.u32 $0x380, s24;
	v2 =	vld [tilespmem:s22+$0x300]  }
0x35: {  	v43 =	vld [tilespmem:s26+$0x4000];
	v0 =	vadd.f32 v1, v0;
	v1 =	vmul.f32 v39, v3  }
0x36: {  	v3 =	vld [tilespmem:s26+$0x0]  }
0x37: {  	v44 =	vld [tilespmem:s22+$0x800];
	v0 =	vadd.f32 v1, v0;
	v1 =	vmul.f32 v41, v40  }
0x38: {  	v45 =	vld [tilespmem:s22+$0x4800];
	s31 =	sor.u32 $0x880, s23  }
0x39: {  	v46 =	vld [tilespmem:s31+$0x4000];
	v0 =	vadd.f32 v1, v0;
	v1 =	vmul.f32 v42, v2  }
0x3a: {  	v2 =	vld [tilespmem:s31+$0x0]  }
0x3b: {  	v47 =	vld [tilespmem:s22+$0x4900];
	v0 =	vadd.f32 v1, v0;
	v1 =	vmul.f32 v43, v3  }
0x3c: {  	s0 =	sor.u32 $0x980, s23;
	v3 =	vld [tilespmem:s22+$0x900]  }
0x3d: {  	v48 =	vld [tilespmem:s0+$0x0];
	v0 =	vadd.f32 v1, v0;
	v1 =	vmul.f32 v45, v44  }
0x3e: {  	v49 =	vld [tilespmem:s0+$0x4000]  }
0x3f: {  	v50 =	vld [tilespmem:s22+$0x4A00];
	v0 =	vadd.f32 v1, v0;
	v1 =	vmul.f32 v46, v2  }
0x40: {  	s26 =	sor.u32 $0xA80, s23;
	v2 =	vld [tilespmem:s22+$0xA00]  }
0x41: {  	v51 =	vld [tilespmem:s26+$0x4000];
	v0 =	vadd.f32 v1, v0;
	v1 =	vmul.f32 v47, v3  }
0x42: {  	v3 =	vld [tilespmem:s26+$0x0]  }
0x43: {  	v52 =	vld [tilespmem:s22+$0xB00];
	v0 =	vadd.f32 v1, v0;
	v1 =	vmul.f32 v49, v48  }
0x44: {  	v53 =	vld [tilespmem:s22+$0x4B00];
	s31 =	sor.u32 $0xB80, s24  }
0x45: {  	v54 =	vld [tilespmem:s31+$0x4000];
	v0 =	vadd.f32 v1, v0;
	v1 =	vmul.f32 v50, v2  }
0x46: {  	v2 =	vld [tilespmem:s31+$0x0]  }
0x47: {  	v55 =	vld [tilespmem:s22+$0x5000];
	v0 =	vadd.f32 v1, v0;
	v1 =	vmul.f32 v51, v3  }
0x48: {  	s0 =	sor.u32 $0x1080, s23;
	v3 =	vld [tilespmem:s22+$0x1000]  }
0x49: {  	v56 =	vld [tilespmem:s0+$0x0];
	v0 =	vadd.f32 v1, v0;
	v1 =	vmul.f32 v53, v52  }
0x4a: {  	v57 =	vld [tilespmem:s0+$0x4000]  }
0x4b: {  	v58 =	vld [tilespmem:s22+$0x5100];
	v0 =	vadd.f32 v1, v0;
	v1 =	vmul.f32 v54, v2  }
0x4c: {  	s26 =	sor.u32 $0x1180, s23;
	v2 =	vld [tilespmem:s22+$0x1100]  }
0x4d: {  	v59 =	vld [tilespmem:s26+$0x4000];
	v0 =	vadd.f32 v1, v0;
	v1 =	vmul.f32 v55, v3  }
0x4e: {  	v3 =	vld [tilespmem:s26+$0x0]  }
0x4f: {  	v60 =	vld [tilespmem:s22+$0x1200];
	v0 =	vadd.f32 v1, v0;
	v1 =	vmul.f32 v57, v56  }
0x50: {  	v61 =	vld [tilespmem:s22+$0x5200];
	s31 =	sor.u32 $0x1280, s23  }
0x51: {  	v62 =	vld [tilespmem:s31+$0x4000];
	v0 =	vadd.f32 v1, v0;
	v1 =	vmul.f32 v58, v2  }
0x52: {  	v2 =	vld [tilespmem:s31+$0x0]  }
0x53: {  	v63 =	vld [tilespmem:s22+$0x5300];
	v0 =	vadd.f32 v1, v0;
	v1 =	vmul.f32 v59, v3  }
0x54: {  	s0 =	sor.u32 $0x1380, s24;
	v3 =	vld [tilespmem:s22+$0x1300]  }
0x55: {  	v9 =	vld [tilespmem:s0+$0x0];
	v0 =	vadd.f32 v1, v0;
	v1 =	vmul.f32 v61, v60  }
0x56: {  	v10 =	vld [tilespmem:s0+$0x4000]  }
0x57: {  	v11 =	vld [tilespmem:s22+$0x5800];
	v0 =	vadd.f32 v1, v0;
	v1 =	vmul.f32 v62, v2  }
0x58: {  	s26 =	sor.u32 $0x1880, s23;
	v2 =	vld [tilespmem:s22+$0x1800]  }
0x59: {  	v12 =	vld [tilespmem:s26+$0x4000];
	v0 =	vadd.f32 v1, v0;
	v1 =	vmul.f32 v63, v3  }
0x5a: {  	v3 =	vld [tilespmem:s26+$0x0]  }
0x5b: {  	v13 =	vld [tilespmem:s22+$0x1900];
	v0 =	vadd.f32 v1, v0;
	v1 =	vmul.f32 v10, v9  }
0x5c: {  	v14 =	vld [tilespmem:s22+$0x5900];
	s31 =	sor.u32 $0x1980, s23  }
0x5d: {  	v15 =	vld [tilespmem:s31+$0x4000];
	v0 =	vadd.f32 v1, v0;
	v1 =	vmul.f32 v11, v2  }
0x5e: {  	v2 =	vld [tilespmem:s31+$0x0]  }
0x5f: {  	v16 =	vld [tilespmem:s22+$0x5A00];
	v0 =	vadd.f32 v1, v0;
	v1 =	vmul.f32 v12, v3  }
0x60: {  	s0 =	sor.u32 $0x1A80, s23;
	v3 =	vld [tilespmem:s22+$0x1A00]  }
0x61: {  	v17 =	vld [tilespmem:s0+$0x0];
	v0 =	vadd.f32 v1, v0;
	v1 =	vmul.f32 v14, v13  }
0x62: {  	v18 =	vld [tilespmem:s0+$0x4000]  }
0x63: {  	v19 =	vld [tilespmem:s22+$0x5B00];
	v0 =	vadd.f32 v1, v0;
	v1 =	vmul.f32 v15, v2  }
0x64: {  	s26 =	sor.u32 $0x1B80, s24;
	v2 =	vld [tilespmem:s22+$0x1B00]  }
0x65: {  	v20 =	vld [tilespmem:s26+$0x4000];
	v0 =	vadd.f32 v1, v0;
	v1 =	vmul.f32 v16, v3  }
0x66: {  	v3 =	vld [tilespmem:s26+$0x0]  }
0x67: {  	v21 =	vld [tilespmem:s22+$0x2000];
	v0 =	vadd.f32 v1, v0;
	v1 =	vmul.f32 v18, v17  }
0x68: {  	v22 =	vld [tilespmem:s22+$0x6000];
	s31 =	sor.u32 $0x2080, s23  }
0x69: {  	v23 =	vld [tilespmem:s31+$0x4000];
	v0 =	vadd.f32 v1, v0;
	v1 =	vmul.f32 v19, v2  }
0x6a: {  	v2 =	vld [tilespmem:s31+$0x0]  }
0x6b: {  	v24 =	vld [tilespmem:s22+$0x6100];
	v0 =	vadd.f32 v1, v0;
	v1 =	vmul.f32 v20, v3  }
0x6c: {  	s0 =	sor.u32 $0x2180, s23;
	v3 =	vld [tilespmem:s22+$0x2100]  }
0x6d: {  	v25 =	vld [tilespmem:s0+$0x0];
	v0 =	vadd.f32 v1, v0;
	v1 =	vmul.f32 v22, v21  }
0x6e: {  	v26 =	vld [tilespmem:s0+$0x4000]  }
0x6f: {  	v27 =	vld [tilespmem:s22+$0x6200];
	v0 =	vadd.f32 v1, v0;
	v1 =	vmul.f32 v23, v2  }
0x70: {  	s26 =	sor.u32 $0x2280, s23;
	v2 =	vld [tilespmem:s22+$0x2200]  }
0x71: {  	v28 =	vld [tilespmem:s26+$0x4000];
	v0 =	vadd.f32 v1, v0;
	v1 =	vmul.f32 v24, v3  }
0x72: {  	v3 =	vld [tilespmem:s26+$0x0]  }
0x73: {  	v29 =	vld [tilespmem:s22+$0x2300];
	v0 =	vadd.f32 v1, v0;
	v1 =	vmul.f32 v26, v25  }
0x74: {  	v30 =	vld [tilespmem:s22+$0x6300];
	s31 =	sor.u32 $0x2380, s24  }
0x75: {  	v31 =	vld [tilespmem:s31+$0x4000];
	v0 =	vadd.f32 v1, v0;
	v1 =	vmul.f32 v27, v2  }
0x76: {  	v2 =	vld [tilespmem:s31+$0x0]  }
0x77: {  	v32 =	vld [tilespmem:s22+$0x6800];
	v0 =	vadd.f32 v1, v0;
	v1 =	vmul.f32 v28, v3  }
0x78: {  	s0 =	sor.u32 $0x2880, s23;
	v3 =	vld [tilespmem:s22+$0x2800]  }
0x79: {  	v33 =	vld [tilespmem:s0+$0x0];
	v0 =	vadd.f32 v1, v0;
	v1 =	vmul.f32 v30, v29  }
0x7a: {  	v34 =	vld [tilespmem:s0+$0x4000]  }
0x7b: {  	v35 =	vld [tilespmem:s22+$0x6900];
	v0 =	vadd.f32 v1, v0;
	v1 =	vmul.f32 v31, v2  }
0x7c: {  	s26 =	sor.u32 $0x2980, s23;
	v2 =	vld [tilespmem:s22+$0x2900]  }
0x7d: {  	v36 =	vld [tilespmem:s26+$0x4000];
	v0 =	vadd.f32 v1, v0;
	v1 =	vmul.f32 v32, v3  }
0x7e: {  	v3 =	vld [tilespmem:s26+$0x0]  }
0x7f: {  	v37 =	vld [tilespmem:s22+$0x2A00];
	v0 =	vadd.f32 v1, v0;
	v1 =	vmul.f32 v34, v33  }
0x80: {  	v38 =	vld [tilespmem:s22+$0x6A00];
	s31 =	sor.u32 $0x2A80, s23  }
0x81: {  	v39 =	vld [tilespmem:s31+$0x4000];
	v0 =	vadd.f32 v1, v0;
	v1 =	vmul.f32 v35, v2  }
0x82: {  	v2 =	vld [tilespmem:s31+$0x0]  }
0x83: {  	v40 =	vld [tilespmem:s22+$0x6B00];
	v0 =	vadd.f32 v1, v0;
	v1 =	vmul.f32 v36, v3  }
0x84: {  	s0 =	sor.u32 $0x2B80, s24;
	v3 =	vld [tilespmem:s22+$0x2B00]  }
0x85: {  	v41 =	vld [tilespmem:s0+$0x0];
	v0 =	vadd.f32 v1, v0;
	v1 =	vmul.f32 v38, v37  }
0x86: {  	v42 =	vld [tilespmem:s0+$0x4000]  }
0x87: {  	v43 =	vld [tilespmem:s22+$0x7000];
	v0 =	vadd.f32 v1, v0;
	v1 =	vmul.f32 v39, v2  }
0x88: {  	s26 =	sor.u32 $0x3080, s23;
	v2 =	vld [tilespmem:s22+$0x3000]  }
0x89: {  	v44 =	vld [tilespmem:s26+$0x4000];
	v0 =	vadd.f32 v1, v0;
	v1 =	vmul.f32 v40, v3  }
0x8a: {  	v3 =	vld [tilespmem:s26+$0x0]  }
0x8b: {  	v45 =	vld [tilespmem:s22+$0x3100];
	v0 =	vadd.f32 v1, v0;
	v1 =	vmul.f32 v42, v41  }
0x8c: {  	v46 =	vld [tilespmem:s22+$0x7100];
	s31 =	sor.u32 $0x3180, s23  }
0x8d: {  	v47 =	vld [tilespmem:s31+$0x4000];
	v0 =	vadd.f32 v1, v0;
	v1 =	vmul.f32 v43, v2  }
0x8e: {  	v2 =	vld [tilespmem:s31+$0x0]  }
0x8f: {  	v48 =	vld [tilespmem:s22+$0x7200];
	v0 =	vadd.f32 v1, v0;
	v1 =	vmul.f32 v44, v3  }
0x90: {  	s0 =	sor.u32 $0x3280, s23;
	v3 =	vld [tilespmem:s22+$0x3200]  }
0x91: {  	v49 =	vld [tilespmem:s0+$0x0];
	v0 =	vadd.f32 v1, v0;
	v1 =	vmul.f32 v46, v45  }
0x92: {  	v50 =	vld [tilespmem:s0+$0x4000]  }
0x93: {  	v51 =	vld [tilespmem:s22+$0x7300];
	v0 =	vadd.f32 v1, v0;
	v1 =	vmul.f32 v47, v2  }
0x94: {  	s26 =	sor.u32 $0x3380, s24;
	v2 =	vld [tilespmem:s22+$0x3300]  }
0x95: {  	v52 =	vld [tilespmem:s26+$0x4000];
	v0 =	vadd.f32 v1, v0;
	v1 =	vmul.f32 v48, v3  }
0x96: {  	v3 =	vld [tilespmem:s26+$0x0]  }
0x97: {  	v53 =	vld [tilespmem:s22+$0x3800];
	v0 =	vadd.f32 v1, v0;
	v1 =	vmul.f32 v50, v49  }
0x98: {  	v54 =	vld [tilespmem:s22+$0x7800];
	s31 =	sor.u32 $0x3880, s23  }
0x99: {  	v55 =	vld [tilespmem:s31+$0x4000];
	v0 =	vadd.f32 v1, v0;
	v1 =	vmul.f32 v51, v2  }
0x9a: {  	v2 =	vld [tilespmem:s31+$0x0]  }
0x9b: {  	v56 =	vld [tilespmem:s22+$0x7900];
	v0 =	vadd.f32 v1, v0;
	v1 =	vmul.f32 v52, v3  }
0x9c: {  	s0 =	sor.u32 $0x3980, s23;
	v3 =	vld [tilespmem:s22+$0x3900]  }
0x9d: {  	v57 =	vld [tilespmem:s0+$0x0];
	v0 =	vadd.f32 v1, v0;
	v1 =	vmul.f32 v54, v53  }
0x9e: {  	v58 =	vld [tilespmem:s0+$0x4000]  }
0x9f: {  	v59 =	vld [tilespmem:s22+$0x7A00];
	v0 =	vadd.f32 v1, v0;
	v1 =	vmul.f32 v55, v2  }
0xa0: {  	s23 =	sor.u32 $0x3A80, s23;
	v2 =	vld [tilespmem:s22+$0x3A00]  }
0xa1: {  	v60 =	vld [tilespmem:s23+$0x4000];
	v0 =	vadd.f32 v1, v0;
	v1 =	vmul.f32 v56, v3  }
0xa2: {  	v3 =	vld [tilespmem:s23+$0x0]  }
0xa3: {  	v61 =	vld [tilespmem:s22+$0x3B00];
	v0 =	vadd.f32 v1, v0;
	v1 =	vmul.f32 v58, v57  }
0xa4: {  	v62 =	vld [tilespmem:s22+$0x7B00];
	s24 =	sor.u32 $0x3B80, s24  }
0xa5: {  	v63 =	vld [tilespmem:s24+$0x4000];
	v0 =	vadd.f32 v1, v0;
	v1 =	vmul.f32 v59, v2  }
0xa6: {  	v2 =	vld [tilespmem:s24+$0x0]  }
0xa7: {  	v0 =	vadd.f32 v1, v0;
	v1 =	vmul.f32 v60, v3;
	_ =	sdelay $0x1  }
0xa8: {  	v0 =	vadd.f32 v1, v0;
	v1 =	vmul.f32 v62, v61  }
0xa9: {  	v3 =	vld [tilespmem:s18+$0x0]  }
0xaa: {  	v0 =	vadd.f32 v1, v0;
	v1 =	vmul.f32 v63, v2  }
0xab: {  	v2 =	vld [tilespmem:s19+$0x0]  }
0xac: {  	v0 =	vadd.f32 v1, v0;
	_ =	sdelay $0x1  }
0xad: {  	v0 =	vadd.f32 v0, v3;
	_ =	sdelay $0x1  }
0xae: {  	s28 =	simm.s32 $0x10;
	s26 =	simm.s32 $0x80;
	v0 =	vadd.f32 v0, v2  }
0xaf: {  	s25 =	sand.u32 $0x70, s28;
	s31 =	sand.u32 $0x400, s26  }
0xb0: {  	s29 =	simm.s32 $0x100;
	s30 =	sand.u32 $0xFFFFFC00, s26;
	s25 =	sor.u32 s25, s31;
	[tilespmem:s20+$0x0] =	vst v0  }
0xb1: {  	s22 =	smov.u32 s20;
	s23 =	smov.u32 s19;
	s24 =	smov.u32 s18;
	v0 =	vld [tilespmem:$0x9800]  }
.LBB2_3:
0xb2: {  	p0 =	sne.s32 s29, $0x780;
	v1 =	vld [tilespmem:s25+$0x0];
	s30 =	sadd.s32 s30, s28  }
0xb3: {  	v2 =	vld [tilespmem:s25+$0x4000];
	s31 =	sor.u32 $0x80, s30  }
0xb4: {  	v3 =	vld [tilespmem:s31+$0x0]  }
0xb5: {  	v4 =	vld [tilespmem:s31+$0x4000]  }
0xb6: {  	v5 =	vld [tilespmem:s25+$0x100]  }
0xb7: {  	s31 =	sor.u32 $0x180, s30;
	v6 =	vld [tilespmem:s25+$0x4100]  }
0xb8: {  	v1 =	vmul.f32 v2, v1;
	v2 =	vld [tilespmem:s31+$0x0]  }
0xb9: {  	v7 =	vld [tilespmem:s31+$0x4000]  }
0xba: {  	v0 =	vadd.f32 v1, v0;
	v1 =	vmul.f32 v4, v3;
	v3 =	vld [tilespmem:s25+$0x200]  }
0xbb: {  	s31 =	sor.u32 $0x280, s30;
	v4 =	vld [tilespmem:s25+$0x4200]  }
0xbc: {  	v0 =	vadd.f32 v1, v0;
	v1 =	vmul.f32 v6, v5;
	v5 =	vld [tilespmem:s31+$0x0]  }
0xbd: {  	v6 =	vld [tilespmem:s31+$0x4000]  }
0xbe: {  	s31 =	sor.u32 s28, s26;
	s26 =	smov.u32 s29;
	v0 =	vadd.f32 v1, v0;
	v1 =	vmul.f32 v7, v2;
	v2 =	vld [tilespmem:s25+$0x300]  }
0xbf: {  	s0 =	sor.u32 $0x380, s31;
	v7 =	vld [tilespmem:s25+$0x4300]  }
0xc0: {  	v0 =	vadd.f32 v1, v0;
	v1 =	vmul.f32 v4, v3;
	v3 =	vld [tilespmem:s0+$0x0]  }
0xc1: {  	v4 =	vld [tilespmem:s0+$0x4000]  }
0xc2: {  	v0 =	vadd.f32 v1, v0;
	v1 =	vmul.f32 v6, v5;
	v5 =	vld [tilespmem:s25+$0x800]  }
0xc3: {  	s0 =	sor.u32 $0x880, s30;
	v6 =	vld [tilespmem:s25+$0x4800]  }
0xc4: {  	v0 =	vadd.f32 v1, v0;
	v1 =	vmul.f32 v7, v2;
	v2 =	vld [tilespmem:s0+$0x0]  }
0xc5: {  	v7 =	vld [tilespmem:s0+$0x4000]  }
0xc6: {  	v0 =	vadd.f32 v1, v0;
	v1 =	vmul.f32 v4, v3;
	v3 =	vld [tilespmem:s25+$0x900]  }
0xc7: {  	s0 =	sor.u32 $0x980, s30;
	v4 =	vld [tilespmem:s25+$0x4900]  }
0xc8: {  	v0 =	vadd.f32 v1, v0;
	v1 =	vmul.f32 v6, v5;
	v5 =	vld [tilespmem:s0+$0x0]  }
0xc9: {  	v6 =	vld [tilespmem:s0+$0x4000]  }
0xca: {  	v0 =	vadd.f32 v1, v0;
	v1 =	vmul.f32 v7, v2;
	v2 =	vld [tilespmem:s25+$0xA00]  }
0xcb: {  	s0 =	sor.u32 $0xA80, s30;
	v7 =	vld [tilespmem:s25+$0x4A00]  }
0xcc: {  	v0 =	vadd.f32 v1, v0;
	v1 =	vmul.f32 v4, v3;
	v3 =	vld [tilespmem:s0+$0x0]  }
0xcd: {  	v4 =	vld [tilespmem:s0+$0x4000]  }
0xce: {  	v0 =	vadd.f32 v1, v0;
	v1 =	vmul.f32 v6, v5;
	v5 =	vld [tilespmem:s25+$0xB00]  }
0xcf: {  	s0 =	sor.u32 $0xB80, s31;
	v6 =	vld [tilespmem:s25+$0x4B00]  }
0xd0: {  	v0 =	vadd.f32 v1, v0;
	v1 =	vmul.f32 v7, v2;
	v2 =	vld [tilespmem:s0+$0x0]  }
0xd1: {  	v7 =	vld [tilespmem:s0+$0x4000]  }
0xd2: {  	v0 =	vadd.f32 v1, v0;
	v1 =	vmul.f32 v4, v3;
	v3 =	vld [tilespmem:s25+$0x1000]  }
0xd3: {  	s0 =	sor.u32 $0x1080, s30;
	v4 =	vld [tilespmem:s25+$0x5000]  }
0xd4: {  	v0 =	vadd.f32 v1, v0;
	v1 =	vmul.f32 v6, v5;
	v5 =	vld [tilespmem:s0+$0x0]  }
0xd5: {  	v6 =	vld [tilespmem:s0+$0x4000]  }
0xd6: {  	v0 =	vadd.f32 v1, v0;
	v1 =	vmul.f32 v7, v2;
	v2 =	vld [tilespmem:s25+$0x1100]  }
0xd7: {  	s0 =	sor.u32 $0x1180, s30;
	v7 =	vld [tilespmem:s25+$0x5100]  }
0xd8: {  	v0 =	vadd.f32 v1, v0;
	v1 =	vmul.f32 v4, v3;
	v3 =	vld [tilespmem:s0+$0x0]  }
0xd9: {  	v4 =	vld [tilespmem:s0+$0x4000]  }
0xda: {  	v0 =	vadd.f32 v1, v0;
	v1 =	vmul.f32 v6, v5;
	v5 =	vld [tilespmem:s25+$0x1200]  }
0xdb: {  	s0 =	sor.u32 $0x1280, s30;
	v6 =	vld [tilespmem:s25+$0x5200]  }
0xdc: {  	v0 =	vadd.f32 v1, v0;
	v1 =	vmul.f32 v7, v2;
	v2 =	vld [tilespmem:s0+$0x0]  }
0xdd: {  	v7 =	vld [tilespmem:s0+$0x4000]  }
0xde: {  	v0 =	vadd.f32 v1, v0;
	v1 =	vmul.f32 v4, v3;
	v3 =	vld [tilespmem:s25+$0x1300]  }
0xdf: {  	s0 =	sor.u32 $0x1380, s31;
	v4 =	vld [tilespmem:s25+$0x5300]  }
0xe0: {  	v0 =	vadd.f32 v1, v0;
	v1 =	vmul.f32 v6, v5;
	v5 =	vld [tilespmem:s0+$0x0]  }
0xe1: {  	v6 =	vld [tilespmem:s0+$0x4000]  }
0xe2: {  	v0 =	vadd.f32 v1, v0;
	v1 =	vmul.f32 v7, v2;
	v2 =	vld [tilespmem:s25+$0x1800]  }
0xe3: {  	s0 =	sor.u32 $0x1880, s30;
	v7 =	vld [tilespmem:s25+$0x5800]  }
0xe4: {  	v0 =	vadd.f32 v1, v0;
	v1 =	vmul.f32 v4, v3;
	v3 =	vld [tilespmem:s0+$0x0]  }
0xe5: {  	v4 =	vld [tilespmem:s0+$0x4000]  }
0xe6: {  	v0 =	vadd.f32 v1, v0;
	v1 =	vmul.f32 v6, v5;
	v5 =	vld [tilespmem:s25+$0x1900]  }
0xe7: {  	s0 =	sor.u32 $0x1980, s30;
	v6 =	vld [tilespmem:s25+$0x5900]  }
0xe8: {  	v0 =	vadd.f32 v1, v0;
	v1 =	vmul.f32 v7, v2;
	v2 =	vld [tilespmem:s0+$0x0]  }
0xe9: {  	v7 =	vld [tilespmem:s0+$0x4000]  }
0xea: {  	v0 =	vadd.f32 v1, v0;
	v1 =	vmul.f32 v4, v3;
	v3 =	vld [tilespmem:s25+$0x1A00]  }
0xeb: {  	s0 =	sor.u32 $0x1A80, s30;
	v4 =	vld [tilespmem:s25+$0x5A00]  }
0xec: {  	v0 =	vadd.f32 v1, v0;
	v1 =	vmul.f32 v6, v5;
	v5 =	vld [tilespmem:s0+$0x0]  }
0xed: {  	v6 =	vld [tilespmem:s0+$0x4000]  }
0xee: {  	v0 =	vadd.f32 v1, v0;
	v1 =	vmul.f32 v7, v2;
	v2 =	vld [tilespmem:s25+$0x1B00]  }
0xef: {  	s0 =	sor.u32 $0x1B80, s31;
	v7 =	vld [tilespmem:s25+$0x5B00]  }
0xf0: {  	v0 =	vadd.f32 v1, v0;
	v1 =	vmul.f32 v4, v3;
	v3 =	vld [tilespmem:s0+$0x0]  }
0xf1: {  	v4 =	vld [tilespmem:s0+$0x4000]  }
0xf2: {  	v0 =	vadd.f32 v1, v0;
	v1 =	vmul.f32 v6, v5;
	v5 =	vld [tilespmem:s25+$0x2000]  }
0xf3: {  	s0 =	sor.u32 $0x2080, s30;
	v6 =	vld [tilespmem:s25+$0x6000]  }
0xf4: {  	v0 =	vadd.f32 v1, v0;
	v1 =	vmul.f32 v7, v2;
	v2 =	vld [tilespmem:s0+$0x0]  }
0xf5: {  	v7 =	vld [tilespmem:s0+$0x4000]  }
0xf6: {  	v0 =	vadd.f32 v1, v0;
	v1 =	vmul.f32 v4, v3;
	v3 =	vld [tilespmem:s25+$0x2100]  }
0xf7: {  	s0 =	sor.u32 $0x2180, s30;
	v4 =	vld [tilespmem:s25+$0x6100]  }
0xf8: {  	v0 =	vadd.f32 v1, v0;
	v1 =	vmul.f32 v6, v5;
	v5 =	vld [tilespmem:s0+$0x0]  }
0xf9: {  	v6 =	vld [tilespmem:s0+$0x4000]  }
0xfa: {  	v0 =	vadd.f32 v1, v0;
	v1 =	vmul.f32 v7, v2;
	v2 =	vld [tilespmem:s25+$0x2200]  }
0xfb: {  	s0 =	sor.u32 $0x2280, s30;
	v7 =	vld [tilespmem:s25+$0x6200]  }
0xfc: {  	v0 =	vadd.f32 v1, v0;
	v1 =	vmul.f32 v4, v3;
	v3 =	vld [tilespmem:s0+$0x0]  }
0xfd: {  	v4 =	vld [tilespmem:s0+$0x4000]  }
0xfe: {  	v0 =	vadd.f32 v1, v0;
	v1 =	vmul.f32 v6, v5;
	v5 =	vld [tilespmem:s25+$0x2300]  }
0xff: {  	s0 =	sor.u32 $0x2380, s31;
	v6 =	vld [tilespmem:s25+$0x6300]  }
0x100: {  	v0 =	vadd.f32 v1, v0;
	v1 =	vmul.f32 v7, v2;
	v2 =	vld [tilespmem:s0+$0x0]  }
0x101: {  	v7 =	vld [tilespmem:s0+$0x4000]  }
0x102: {  	v0 =	vadd.f32 v1, v0;
	v1 =	vmul.f32 v4, v3;
	v3 =	vld [tilespmem:s25+$0x2800]  }
0x103: {  	s0 =	sor.u32 $0x2880, s30;
	v4 =	vld [tilespmem:s25+$0x6800]  }
0x104: {  	v0 =	vadd.f32 v1, v0;
	v1 =	vmul.f32 v6, v5;
	v5 =	vld [tilespmem:s0+$0x0]  }
0x105: {  	v6 =	vld [tilespmem:s0+$0x4000]  }
0x106: {  	v0 =	vadd.f32 v1, v0;
	v1 =	vmul.f32 v7, v2;
	v2 =	vld [tilespmem:s25+$0x2900]  }
0x107: {  	s0 =	sor.u32 $0x2980, s30;
	v7 =	vld [tilespmem:s25+$0x6900]  }
0x108: {  	v0 =	vadd.f32 v1, v0;
	v1 =	vmul.f32 v4, v3;
	v3 =	vld [tilespmem:s0+$0x0]  }
0x109: {  	v4 =	vld [tilespmem:s0+$0x4000]  }
0x10a: {  	v0 =	vadd.f32 v1, v0;
	v1 =	vmul.f32 v6, v5;
	v5 =	vld [tilespmem:s25+$0x2A00]  }
0x10b: {  	s0 =	sor.u32 $0x2A80, s30;
	v6 =	vld [tilespmem:s25+$0x6A00]  }
0x10c: {  	v0 =	vadd.f32 v1, v0;
	v1 =	vmul.f32 v7, v2;
	v2 =	vld [tilespmem:s0+$0x0]  }
0x10d: {  	v7 =	vld [tilespmem:s0+$0x4000]  }
0x10e: {  	v0 =	vadd.f32 v1, v0;
	v1 =	vmul.f32 v4, v3;
	v3 =	vld [tilespmem:s25+$0x2B00]  }
0x10f: {  	s0 =	sor.u32 $0x2B80, s31;
	v4 =	vld [tilespmem:s25+$0x6B00]  }
0x110: {  	v0 =	vadd.f32 v1, v0;
	v1 =	vmul.f32 v6, v5;
	v5 =	vld [tilespmem:s0+$0x0]  }
0x111: {  	v6 =	vld [tilespmem:s0+$0x4000]  }
0x112: {  	v0 =	vadd.f32 v1, v0;
	v1 =	vmul.f32 v7, v2;
	v2 =	vld [tilespmem:s25+$0x3000]  }
0x113: {  	s0 =	sor.u32 $0x3080, s30;
	v7 =	vld [tilespmem:s25+$0x7000]  }
0x114: {  	v0 =	vadd.f32 v1, v0;
	v1 =	vmul.f32 v4, v3;
	v3 =	vld [tilespmem:s0+$0x0]  }
0x115: {  	v4 =	vld [tilespmem:s0+$0x4000]  }
0x116: {  	v0 =	vadd.f32 v1, v0;
	v1 =	vmul.f32 v6, v5;
	v5 =	vld [tilespmem:s25+$0x3100]  }
0x117: {  	s0 =	sor.u32 $0x3180, s30;
	v6 =	vld [tilespmem:s25+$0x7100]  }
0x118: {  	v0 =	vadd.f32 v1, v0;
	v1 =	vmul.f32 v7, v2;
	v2 =	vld [tilespmem:s0+$0x0]  }
0x119: {  	v7 =	vld [tilespmem:s0+$0x4000]  }
0x11a: {  	v0 =	vadd.f32 v1, v0;
	v1 =	vmul.f32 v4, v3;
	v3 =	vld [tilespmem:s25+$0x3200]  }
0x11b: {  	s0 =	sor.u32 $0x3280, s30;
	v4 =	vld [tilespmem:s25+$0x7200]  }
0x11c: {  	v0 =	vadd.f32 v1, v0;
	v1 =	vmul.f32 v6, v5;
	v5 =	vld [tilespmem:s0+$0x0]  }
0x11d: {  	v6 =	vld [tilespmem:s0+$0x4000]  }
0x11e: {  	v0 =	vadd.f32 v1, v0;
	v1 =	vmul.f32 v7, v2;
	v2 =	vld [tilespmem:s25+$0x3300]  }
0x11f: {  	s0 =	sor.u32 $0x3380, s31;
	v7 =	vld [tilespmem:s25+$0x7300]  }
0x120: {  	v0 =	vadd.f32 v1, v0;
	v1 =	vmul.f32 v4, v3;
	v3 =	vld [tilespmem:s0+$0x0]  }
0x121: {  	v4 =	vld [tilespmem:s0+$0x4000]  }
0x122: {  	v0 =	vadd.f32 v1, v0;
	v1 =	vmul.f32 v6, v5;
	v5 =	vld [tilespmem:s25+$0x3800]  }
0x123: {  	s0 =	sor.u32 $0x3880, s30;
	v6 =	vld [tilespmem:s25+$0x7800]  }
0x124: {  	v0 =	vadd.f32 v1, v0;
	v1 =	vmul.f32 v7, v2;
	v2 =	vld [tilespmem:s0+$0x0]  }
0x125: {  	v7 =	vld [tilespmem:s0+$0x4000]  }
0x126: {  	v0 =	vadd.f32 v1, v0;
	v1 =	vmul.f32 v4, v3;
	v3 =	vld [tilespmem:s25+$0x3900]  }
0x127: {  	s0 =	sor.u32 $0x3980, s30;
	v4 =	vld [tilespmem:s25+$0x7900]  }
0x128: {  	v0 =	vadd.f32 v1, v0;
	v1 =	vmul.f32 v6, v5;
	v5 =	vld [tilespmem:s0+$0x0]  }
0x129: {  	v6 =	vld [tilespmem:s0+$0x4000]  }
0x12a: {  	v0 =	vadd.f32 v1, v0;
	v1 =	vmul.f32 v7, v2;
	v2 =	vld [tilespmem:s25+$0x3A00]  }
0x12b: {  	s0 =	sor.u32 $0x3A80, s30;
	v7 =	vld [tilespmem:s25+$0x7A00]  }
0x12c: {  	v0 =	vadd.f32 v1, v0;
	v1 =	vmul.f32 v4, v3;
	v3 =	vld [tilespmem:s0+$0x0]  }
0x12d: {  	v4 =	vld [tilespmem:s0+$0x4000]  }
0x12e: {  	v0 =	vadd.f32 v1, v0;
	v1 =	vmul.f32 v6, v5;
	v5 =	vld [tilespmem:s25+$0x3B00]  }
0x12f: {  	s0 =	sor.u32 $0x3B80, s31;
	v6 =	vld [tilespmem:s25+$0x7B00]  }
0x130: {  	v0 =	vadd.f32 v1, v0;
	v1 =	vmul.f32 v7, v2;
	v2 =	vld [tilespmem:s0+$0x0]  }
0x131: {  	v7 =	vld [tilespmem:s0+$0x4000]  }
0x132: {  	v0 =	vadd.f32 v1, v0;
	v1 =	vmul.f32 v4, v3;
	_ =	sdelay $0x1  }
0x133: {  	s24 =	sadd.s32 $0x10, s24;
	v0 =	vadd.f32 v1, v0;
	v1 =	vmul.f32 v6, v5  }
0x134: {  	v3 =	vld [tilespmem:s24+$0x0]  }
0x135: {  	s23 =	sadd.s32 $0x10, s23;
	v0 =	vadd.f32 v1, v0;
	v1 =	vmul.f32 v7, v2  }
0x136: {  	v2 =	vld [tilespmem:s23+$0x0]  }
0x137: {  	v0 =	vadd.f32 v1, v0;
	_ =	sdelay $0x1  }
0x138: {  	v0 =	vadd.f32 v0, v3  }
.Ltmp0:
0x139: {  	(pc) =	sbr.rel @p0 .LBB2_3-.Ltmp0, $4  }
0x13a: {  	v0 =	vadd.f32 v0, v2  }
0x13b: {  	s22 =	sadd.s32 $0x10, s22;
	s28 =	sadd.s32 $0x10, s28  }
0x13c: {  	s25 =	sand.u32 $0x400, s29;
	s0 =	sand.u32 $0x70, s28;
	[tilespmem:s22+$0x0] =	vst v0  }
0x13d: {  	s30 =	sand.u32 $0xFFFFFC00, s26;
	s29 =	sadd.s32 $0x80, s29;
	s25 =	sor.u32 s0, s25;
	v0 =	vld [tilespmem:$0x9800]  }
0x13e: {  	v1 =	vld [tilespmem:s25+$0x0];
	s29 =	sadd.s32 s30, s28  }
0x13f: {  	v2 =	vld [tilespmem:s25+$0x4000];
	s0 =	sor.u32 $0x80, s29  }
0x140: {  	v3 =	vld [tilespmem:s0+$0x0]  }
0x141: {  	v4 =	vld [tilespmem:s0+$0x4000]  }
0x142: {  	v5 =	vld [tilespmem:s25+$0x100]  }
0x143: {  	v6 =	vld [tilespmem:s25+$0x4100];
	s31 =	sor.u32 $0x180, s29  }
0x144: {  	v43 =	vld [tilespmem:s31+$0x0];
	v1 =	vmul.f32 v2, v1  }
0x145: {  	v7 =	vld [tilespmem:s31+$0x4000]  }
0x146: {  	v45 =	vld [tilespmem:s25+$0x200];
	v0 =	vadd.f32 v1, v0;
	v44 =	vmul.f32 v4, v3  }
0x147: {  	v46 =	vld [tilespmem:s25+$0x4200];
	s30 =	sor.u32 $0x280, s29  }
0x148: {  	v48 =	vld [tilespmem:s30+$0x0];
	v47 =	vmul.f32 v6, v5;
	v0 =	vadd.f32 v44, v0  }
0x149: {  	v49 =	vld [tilespmem:s30+$0x4000]  }
0x14a: {  	v51 =	vld [tilespmem:s25+$0x300];
	s26 =	sor.u32 s28, s26;
	v50 =	vmul.f32 v7, v43;
	v0 =	vadd.f32 v47, v0  }
0x14b: {  	v52 =	vld [tilespmem:s25+$0x4300];
	s31 =	sor.u32 $0x380, s26  }
0x14c: {  	v54 =	vld [tilespmem:s31+$0x0];
	v53 =	vmul.f32 v46, v45;
	v0 =	vadd.f32 v50, v0  }
0x14d: {  	v55 =	vld [tilespmem:s31+$0x4000]  }
0x14e: {  	v57 =	vld [tilespmem:s25+$0x800];
	v56 =	vmul.f32 v49, v48;
	v0 =	vadd.f32 v53, v0  }
0x14f: {  	v58 =	vld [tilespmem:s25+$0x4800];
	s28 =	sor.u32 $0x880, s29  }
0x150: {  	v60 =	vld [tilespmem:s28+$0x0];
	v59 =	vmul.f32 v52, v51;
	v0 =	vadd.f32 v56, v0  }
0x151: {  	v61 =	vld [tilespmem:s28+$0x4000]  }
0x152: {  	v63 =	vld [tilespmem:s25+$0x900];
	v62 =	vmul.f32 v55, v54;
	v0 =	vadd.f32 v59, v0  }
0x153: {  	v9 =	vld [tilespmem:s25+$0x4900];
	s30 =	sor.u32 $0x980, s29  }
0x154: {  	v11 =	vld [tilespmem:s30+$0x0];
	v10 =	vmul.f32 v58, v57;
	v0 =	vadd.f32 v62, v0  }
0x155: {  	v12 =	vld [tilespmem:s30+$0x4000]  }
0x156: {  	v14 =	vld [tilespmem:s25+$0xA00];
	v13 =	vmul.f32 v61, v60;
	v0 =	vadd.f32 v10, v0  }
0x157: {  	v15 =	vld [tilespmem:s25+$0x4A00];
	s31 =	sor.u32 $0xA80, s29  }
0x158: {  	v17 =	vld [tilespmem:s31+$0x0];
	v16 =	vmul.f32 v9, v63;
	v0 =	vadd.f32 v13, v0  }
0x159: {  	v18 =	vld [tilespmem:s31+$0x4000]  }
0x15a: {  	v20 =	vld [tilespmem:s25+$0xB00];
	v19 =	vmul.f32 v12, v11;
	v0 =	vadd.f32 v16, v0  }
0x15b: {  	v21 =	vld [tilespmem:s25+$0x4B00];
	s28 =	sor.u32 $0xB80, s26  }
0x15c: {  	v23 =	vld [tilespmem:s28+$0x0];
	v22 =	vmul.f32 v15, v14;
	v0 =	vadd.f32 v19, v0  }
0x15d: {  	v24 =	vld [tilespmem:s28+$0x4000]  }
0x15e: {  	v26 =	vld [tilespmem:s25+$0x1000];
	v25 =	vmul.f32 v18, v17;
	v0 =	vadd.f32 v22, v0  }
0x15f: {  	v27 =	vld [tilespmem:s25+$0x5000];
	s30 =	sor.u32 $0x1080, s29  }
0x160: {  	v29 =	vld [tilespmem:s30+$0x0];
	v28 =	vmul.f32 v21, v20;
	v0 =	vadd.f32 v25, v0  }
0x161: {  	v30 =	vld [tilespmem:s30+$0x4000]  }
0x162: {  	v32 =	vld [tilespmem:s25+$0x1100];
	v31 =	vmul.f32 v24, v23;
	v0 =	vadd.f32 v28, v0  }
0x163: {  	v33 =	vld [tilespmem:s25+$0x5100];
	s31 =	sor.u32 $0x1180, s29  }
0x164: {  	v34 =	vmul.f32 v27, v26;
	v35 =	vld [tilespmem:s31+$0x0];
	v0 =	vadd.f32 v31, v0  }
0x165: {  	v36 =	vld [tilespmem:s31+$0x4000]  }
0x166: {  	v38 =	vld [tilespmem:s25+$0x1200];
	v37 =	vmul.f32 v30, v29;
	v0 =	vadd.f32 v34, v0  }
0x167: {  	v39 =	vld [tilespmem:s25+$0x5200];
	s28 =	sor.u32 $0x1280, s29  }
0x168: {  	v41 =	vld [tilespmem:s28+$0x0];
	v40 =	vmul.f32 v33, v32;
	v0 =	vadd.f32 v37, v0  }
0x169: {  	v42 =	vld [tilespmem:s28+$0x4000]  }
0x16a: {  	v45 =	vld [tilespmem:s25+$0x5300];
	v43 =	vmul.f32 v36, v35;
	v0 =	vadd.f32 v40, v0  }
0x16b: {  	s30 =	sor.u32 $0x1380, s26;
	v44 =	vld [tilespmem:s25+$0x1300]  }
0x16c: {  	v46 =	vmul.f32 v39, v38;
	v48 =	vld [tilespmem:s30+$0x4000];
	v0 =	vadd.f32 v43, v0  }
0x16d: {  	v47 =	vld [tilespmem:s30+$0x0]  }
0x16e: {  	v51 =	vld [tilespmem:s25+$0x5800];
	v49 =	vmul.f32 v42, v41;
	v0 =	vadd.f32 v46, v0  }
0x16f: {  	s31 =	sor.u32 $0x1880, s29;
	v50 =	vld [tilespmem:s25+$0x1800]  }
0x170: {  	v54 =	vld [tilespmem:s31+$0x4000];
	v52 =	vmul.f32 v45, v44;
	v0 =	vadd.f32 v49, v0  }
0x171: {  	v53 =	vld [tilespmem:s31+$0x0]  }
0x172: {  	v57 =	vld [tilespmem:s25+$0x5900];
	v55 =	vmul.f32 v48, v47;
	v0 =	vadd.f32 v52, v0  }
0x173: {  	s28 =	sor.u32 $0x1980, s29;
	v56 =	vld [tilespmem:s25+$0x1900]  }
0x174: {  	v60 =	vld [tilespmem:s28+$0x4000];
	v58 =	vmul.f32 v51, v50;
	v0 =	vadd.f32 v55, v0  }
0x175: {  	v59 =	vld [tilespmem:s28+$0x0]  }
0x176: {  	v63 =	vld [tilespmem:s25+$0x5A00];
	v61 =	vmul.f32 v54, v53;
	v0 =	vadd.f32 v58, v0  }
0x177: {  	s30 =	sor.u32 $0x1A80, s29;
	v62 =	vld [tilespmem:s25+$0x1A00]  }
0x178: {  	v11 =	vld [tilespmem:s30+$0x4000];
	v9 =	vmul.f32 v57, v56;
	v0 =	vadd.f32 v61, v0  }
0x179: {  	v10 =	vld [tilespmem:s30+$0x0]  }
0x17a: {  	v14 =	vld [tilespmem:s25+$0x5B00];
	v12 =	vmul.f32 v60, v59;
	v0 =	vadd.f32 v9, v0  }
0x17b: {  	s31 =	sor.u32 $0x1B80, s26;
	v13 =	vld [tilespmem:s25+$0x1B00]  }
0x17c: {  	v17 =	vld [tilespmem:s31+$0x4000];
	v15 =	vmul.f32 v63, v62;
	v0 =	vadd.f32 v12, v0  }
0x17d: {  	v16 =	vld [tilespmem:s31+$0x0]  }
0x17e: {  	v20 =	vld [tilespmem:s25+$0x6000];
	v18 =	vmul.f32 v11, v10;
	v0 =	vadd.f32 v15, v0  }
0x17f: {  	s28 =	sor.u32 $0x2080, s29;
	v19 =	vld [tilespmem:s25+$0x2000]  }
0x180: {  	v23 =	vld [tilespmem:s28+$0x4000];
	v21 =	vmul.f32 v14, v13;
	v0 =	vadd.f32 v18, v0  }
0x181: {  	v22 =	vld [tilespmem:s28+$0x0]  }
0x182: {  	v26 =	vld [tilespmem:s25+$0x6100];
	v24 =	vmul.f32 v17, v16;
	v0 =	vadd.f32 v21, v0  }
0x183: {  	s30 =	sor.u32 $0x2180, s29;
	v25 =	vld [tilespmem:s25+$0x2100]  }
0x184: {  	v29 =	vld [tilespmem:s30+$0x4000];
	v27 =	vmul.f32 v20, v19;
	v0 =	vadd.f32 v24, v0  }
0x185: {  	v28 =	vld [tilespmem:s30+$0x0]  }
0x186: {  	v32 =	vld [tilespmem:s25+$0x6200];
	v30 =	vmul.f32 v23, v22;
	v0 =	vadd.f32 v27, v0  }
0x187: {  	s31 =	sor.u32 $0x2280, s29;
	v31 =	vld [tilespmem:s25+$0x2200]  }
0x188: {  	v35 =	vld [tilespmem:s31+$0x4000];
	v33 =	vmul.f32 v26, v25;
	v0 =	vadd.f32 v30, v0  }
0x189: {  	v34 =	vld [tilespmem:s31+$0x0]  }
0x18a: {  	v38 =	vld [tilespmem:s25+$0x6300];
	v36 =	vmul.f32 v29, v28;
	v0 =	vadd.f32 v33, v0  }
0x18b: {  	s28 =	sor.u32 $0x2380, s26;
	v37 =	vld [tilespmem:s25+$0x2300]  }
0x18c: {  	v41 =	vld [tilespmem:s28+$0x4000];
	v39 =	vmul.f32 v32, v31;
	v0 =	vadd.f32 v36, v0  }
0x18d: {  	v40 =	vld [tilespmem:s28+$0x0]  }
0x18e: {  	v44 =	vld [tilespmem:s25+$0x6800];
	v42 =	vmul.f32 v35, v34;
	v0 =	vadd.f32 v39, v0  }
0x18f: {  	s30 =	sor.u32 $0x2880, s29;
	v43 =	vld [tilespmem:s25+$0x2800]  }
0x190: {  	v47 =	vld [tilespmem:s30+$0x4000];
	v45 =	vmul.f32 v38, v37;
	v0 =	vadd.f32 v42, v0  }
0x191: {  	v46 =	vld [tilespmem:s30+$0x0]  }
0x192: {  	v50 =	vld [tilespmem:s25+$0x6900];
	v48 =	vmul.f32 v41, v40;
	v0 =	vadd.f32 v45, v0  }
0x193: {  	s31 =	sor.u32 $0x2980, s29;
	v49 =	vld [tilespmem:s25+$0x2900]  }
0x194: {  	v53 =	vld [tilespmem:s31+$0x4000];
	v51 =	vmul.f32 v44, v43;
	v0 =	vadd.f32 v48, v0  }
0x195: {  	v52 =	vld [tilespmem:s31+$0x0]  }
0x196: {  	v56 =	vld [tilespmem:s25+$0x6A00];
	v54 =	vmul.f32 v47, v46;
	v0 =	vadd.f32 v51, v0  }
0x197: {  	s28 =	sor.u32 $0x2A80, s29;
	v55 =	vld [tilespmem:s25+$0x2A00]  }
0x198: {  	v59 =	vld [tilespmem:s28+$0x4000];
	v57 =	vmul.f32 v50, v49;
	v0 =	vadd.f32 v54, v0  }
0x199: {  	v58 =	vld [tilespmem:s28+$0x0]  }
0x19a: {  	v62 =	vld [tilespmem:s25+$0x6B00];
	v60 =	vmul.f32 v53, v52;
	v0 =	vadd.f32 v57, v0  }
0x19b: {  	s30 =	sor.u32 $0x2B80, s26;
	v61 =	vld [tilespmem:s25+$0x2B00]  }
0x19c: {  	v10 =	vld [tilespmem:s30+$0x4000];
	v63 =	vmul.f32 v56, v55;
	v0 =	vadd.f32 v60, v0  }
0x19d: {  	v9 =	vld [tilespmem:s30+$0x0]  }
0x19e: {  	v13 =	vld [tilespmem:s25+$0x7000];
	v11 =	vmul.f32 v59, v58;
	v0 =	vadd.f32 v63, v0  }
0x19f: {  	s31 =	sor.u32 $0x3080, s29;
	v12 =	vld [tilespmem:s25+$0x3000]  }
0x1a0: {  	v16 =	vld [tilespmem:s31+$0x4000];
	v14 =	vmul.f32 v62, v61;
	v0 =	vadd.f32 v11, v0  }
0x1a1: {  	v15 =	vld [tilespmem:s31+$0x0]  }
0x1a2: {  	v19 =	vld [tilespmem:s25+$0x7100];
	v17 =	vmul.f32 v10, v9;
	v0 =	vadd.f32 v14, v0  }
0x1a3: {  	s28 =	sor.u32 $0x3180, s29;
	v18 =	vld [tilespmem:s25+$0x3100]  }
0x1a4: {  	v22 =	vld [tilespmem:s28+$0x4000];
	v20 =	vmul.f32 v13, v12;
	v0 =	vadd.f32 v17, v0  }
0x1a5: {  	v21 =	vld [tilespmem:s28+$0x0]  }
0x1a6: {  	v25 =	vld [tilespmem:s25+$0x7200];
	v23 =	vmul.f32 v16, v15;
	v0 =	vadd.f32 v20, v0  }
0x1a7: {  	s30 =	sor.u32 $0x3280, s29;
	v24 =	vld [tilespmem:s25+$0x3200]  }
0x1a8: {  	v28 =	vld [tilespmem:s30+$0x4000];
	v26 =	vmul.f32 v19, v18;
	v0 =	vadd.f32 v23, v0  }
0x1a9: {  	v27 =	vld [tilespmem:s30+$0x0]  }
0x1aa: {  	v31 =	vld [tilespmem:s25+$0x7300];
	v29 =	vmul.f32 v22, v21;
	v0 =	vadd.f32 v26, v0  }
0x1ab: {  	s31 =	sor.u32 $0x3380, s26;
	v30 =	vld [tilespmem:s25+$0x3300]  }
0x1ac: {  	v34 =	vld [tilespmem:s31+$0x4000];
	v32 =	vmul.f32 v25, v24;
	v0 =	vadd.f32 v29, v0  }
0x1ad: {  	v33 =	vld [tilespmem:s31+$0x0]  }
0x1ae: {  	v37 =	vld [tilespmem:s25+$0x7800];
	v35 =	vmul.f32 v28, v27;
	v0 =	vadd.f32 v32, v0  }
0x1af: {  	s28 =	sor.u32 $0x3880, s29;
	v36 =	vld [tilespmem:s25+$0x3800]  }
0x1b0: {  	v40 =	vld [tilespmem:s28+$0x4000];
	v38 =	vmul.f32 v31, v30;
	v0 =	vadd.f32 v35, v0  }
0x1b1: {  	v39 =	vld [tilespmem:s28+$0x0]  }
0x1b2: {  	v43 =	vld [tilespmem:s25+$0x7900];
	v41 =	vmul.f32 v34, v33;
	v0 =	vadd.f32 v38, v0  }
0x1b3: {  	s30 =	sor.u32 $0x3980, s29;
	v42 =	vld [tilespmem:s25+$0x3900]  }
0x1b4: {  	v46 =	vld [tilespmem:s30+$0x4000];
	v44 =	vmul.f32 v37, v36;
	v0 =	vadd.f32 v41, v0  }
0x1b5: {  	v45 =	vld [tilespmem:s30+$0x0]  }
0x1b6: {  	v49 =	vld [tilespmem:s25+$0x7A00];
	v47 =	vmul.f32 v40, v39;
	v0 =	vadd.f32 v44, v0  }
0x1b7: {  	s31 =	sor.u32 $0x3A80, s29;
	v48 =	vld [tilespmem:s25+$0x3A00]  }
0x1b8: {  	v52 =	vld [tilespmem:s31+$0x4000];
	v50 =	vmul.f32 v43, v42;
	v0 =	vadd.f32 v47, v0  }
0x1b9: {  	v51 =	vld [tilespmem:s31+$0x0]  }
0x1ba: {  	v55 =	vld [tilespmem:s25+$0x7B00];
	v53 =	vmul.f32 v46, v45;
	v0 =	vadd.f32 v50, v0  }
0x1bb: {  	s28 =	sor.u32 $0x3B80, s26;
	v54 =	vld [tilespmem:s25+$0x3B00]  }
0x1bc: {  	v58 =	vld [tilespmem:s28+$0x4000];
	v56 =	vmul.f32 v49, v48;
	v0 =	vadd.f32 v53, v0  }
0x1bd: {  	v57 =	vld [tilespmem:s28+$0x0]  }
0x1be: {  	v59 =	vmul.f32 v52, v51;
	v0 =	vadd.f32 v56, v0;
	_ =	sdelay $0x1  }
0x1bf: {  	s29 =	sadd.s32 $0x10, s24;
	v60 =	vmul.f32 v55, v54;
	v0 =	vadd.f32 v59, v0  }
0x1c0: {  	v61 =	vld [tilespmem:s29+$0x0]  }
0x1c1: {  	s30 =	sadd.s32 $0x10, s23;
	v62 =	vmul.f32 v58, v57;
	v0 =	vadd.f32 v60, v0  }
0x1c2: {  	v63 =	vld [tilespmem:s30+$0x0]  }
0x1c3: {  	s21 =	sadd.s32 $0x1, s21;
	v0 =	vadd.f32 v62, v0  }
0x1c4: {  	p0 =	sne.s32 s21, $0x8  }
.Ltmp1:
0x1c5: {  	v0 =	vadd.f32 v0, v61;
	(pc) =	sbr.rel @p0 .LBB2_2-.Ltmp1, $4  }
0x1c6: {  	_ = 	snop  }
0x1c7: {  	v0 =	vadd.f32 v0, v63  }
0x1c8: {  	s31 =	sadd.s32 $0x10, s22  }
0x1c9: {  	s20 =	sadd.s32 $0x100, s20;
	s19 =	sadd.s32 $0x100, s19;
	s18 =	sadd.s32 $0x100, s18;
	[tilespmem:s31+$0x0] =	vst v0  }
0x1ca: {  	s17 =	sadd.s32 $0x1, s17  }
0x1cb: {  	p0 =	sne.s32 s17, s10  }
.Ltmp2:
0x1cc: {  	_ = 	snop;
	(pc) =	sbr.rel @p0 .LBB2_1-.Ltmp2, $4  }
0x1cd: {  	[hbm4b:s9+s4] =	stream.linear.scatter [tilespmem:s16], [sflag:$0x1], $0x800, $0x38;
	[tilespmem:$0x9880] =	vst v63  }
0x1ce: {  	_ =	swait.ge [sflag:s12], $0x800  }
0x1cf: {  	[sflag:s12] =	ssyncset.done $0x0  }
0x1d0: {  	[sflag:s12] =	ssyncadd.s32 $0xFFFFF800  }
0x1d1: {  	_ =	sfence.sel $0x180000  }
0x1d2: {  	[bflag:$0x0] =	sbarrier.arrive $0xFFFF  }
0x1d3: {  	_ =	strace $0x90000047  }
0x1d4: {  	[bflag:$0x2] =	sbarrier.arrive $0xFFFF  }
0x1d5: {  	p0 =	sne.s32 s3, $0x0;
	s0 =	rddreg [dreg:$0x5]  }
0x1d6: {  	s0 =	sadd.s32 @!p0 $0x100000, s0  }
0x1d7: {  	[sflag:s0] =	ssyncadd.tile.s32 @!p0 $0x1;
	_ =	shalt  }
.Lfunc_end2:
_tile_overlayer_lowered:
.L_overlay_start_2:
0x1d8: {  	(tag) =	ssettag $0x2  }
0x1d9: {  	s0 =	rddreg [dreg:$0x0];
	s2 =	stileid.u32  }
0x1da: {  	s1 =	rddreg [dreg:$0x1];
	p0 =	sne.s32 s2, $0x0  }
0x1db: {  	s3 =	rddreg [dreg:$0x2];
	[bflag:$0x3] =	sbarrier.arrive $0xFFFF;
	s2 =	simm.s32 @!p0 $0x1C01  }
0x1dc: {  	[timem:s3], [sflag:s2] =	dma.local @!p0 [hbm:s0], s1  }
0x1dd: {  	s0 =	simm.s32 @!p0 $0x1  }
0x1de: {  	_ =	swait.ge @!p0 [sflag:s0], s1  }
0x1df: {  	s1 =	ssub.s32 @!p0 $0x0, s1;
	[sflag:s0] =	ssyncset.done @!p0 $0x0  }
0x1e0: {  	[sflag:s0] =	ssyncadd.s32 @!p0 s1  }
0x1e1: {  	[bflag:$0x3] =	sbarrier.arrive $0xFFFF  }
0x1e2: {  	_ =	shalt  }

</sc_bundles>
